<compile_context>
chip_gen: v7x
topology: tpu7x:2x2x1
jax: 0.10.2.dev20260603
libtpu: 0.0.44.dev20260713+nightly
codegen_flags: <defaults>
</compile_context>

<pallas_src>
import functools

import jax
import jax.numpy as jnp
from jax import lax
from jax.experimental import pallas as pl
from jax.experimental.pallas import tpu as pltpu
from jax.experimental.pallas import tpu_sc as plsc

E = 16
TOPK = 2
H = 1024
FF = 3584
T = 64

BF = 896
NF = FF // BF

NW = 32
TPW = T // NW


def _router_sc(x_hbm, gwt_hbm, cw_hbm, x_v, gwt_v, cw_v):
    wid = lax.axis_index("s") * 2 + lax.axis_index("c")
    base = wid * TPW
    pltpu.sync_copy(x_hbm.at[pl.ds(base * H, TPW * H)], x_v)
    pltpu.sync_copy(gwt_hbm, gwt_v)
    for tl in range(TPW):
        def body(c, acc):
            xc = x_v[pl.ds(tl * H + c * 16, 16)]
            for j in range(16):
                acc = acc + xc[j] * gwt_v[pl.ds((c * 16 + j) * E, E)]
            return acc
        logits = lax.fori_loop(0, H // 16, body, jnp.zeros((E,), jnp.float32))
        idx = lax.iota(jnp.int32, E)

        dnums = lax.GatherDimensionNumbers(
            offset_dims=(), collapsed_slice_dims=(0,), start_index_map=(0,))

        def _perm(v, ix):
            return lax.gather(
                v, ix[:, None], dnums, slice_sizes=(1,),
                mode=lax.GatherScatterMode.PROMISE_IN_BOUNDS)

        def _bfly(v, op):
            for k in (8, 4, 2, 1):
                v = op(v, _perm(v, idx ^ k))
            return v

        p = jnp.exp(logits - _bfly(logits, jnp.maximum))
        p = p / _bfly(p, jnp.add)
        m1 = _bfly(p, jnp.maximum)
        i1 = _bfly(jnp.where(p == m1, idx, E), jnp.minimum)
        mask1 = idx == i1
        p2 = jnp.where(mask1, -1.0, p)
        m2 = _bfly(p2, jnp.maximum)
        i2 = _bfly(jnp.where(p2 == m2, idx, E), jnp.minimum)
        mask2 = idx == i2
        cw = (jnp.where(mask1, m1, 0.0) + jnp.where(mask2, m2, 0.0)) / (m1 + m2)
        cw_v[pl.ds(tl * E, E)] = cw
    pltpu.sync_copy(cw_v, cw_hbm.at[pl.ds(base * E, TPW * E)])


_router = functools.partial(
    pl.kernel,
    mesh=plsc.VectorSubcoreMesh(core_axis_name="c", subcore_axis_name="s"),
    out_type=jax.ShapeDtypeStruct((T * E,), jnp.float32),
    scratch_types=[
        pltpu.VMEM((TPW * H,), jnp.float32),
        pltpu.VMEM((H * E,), jnp.float32),
        pltpu.VMEM((TPW * E,), jnp.float32),
    ],
)(_router_sc)


def _moe_body(x_ref, w1_ref, w2_ref, w3_ref, y_ref):
    f = pl.program_id(1)

    @pl.when(f == 0)
    def _init():
        y_ref[...] = jnp.zeros_like(y_ref)

    x = x_ref[...]
    w1b = w1_ref[0]
    w3b = w3_ref[0]
    w2b = w2_ref[0]
    gate = lax.dot_general(
        x, w1b, (((1,), (1,)), ((), ())), preferred_element_type=jnp.float32)
    up = lax.dot_general(
        x, w3b, (((1,), (1,)), ((), ())), preferred_element_type=jnp.float32)
    inter = gate * lax.logistic(gate) * up
    partial = lax.dot_general(
        inter, w2b, (((1,), (1,)), ((), ())), preferred_element_type=jnp.float32)
    y_ref[0] += partial


def _combine_body(cw_ref, y_ref, out_ref):
    cw = cw_ref[...]
    acc = cw[:, 0:1] * y_ref[0]
    for e in range(1, E):
        acc += cw[:, e:e + 1] * y_ref[e]
    out_ref[...] = acc


@jax.jit
def kernel(x, gate_w, w1, w2, w3):
    cw = _router(x.reshape(-1), gate_w.T.reshape(-1)).reshape(T, E)
    y = pl.pallas_call(
        _moe_body,
        grid=(E, NF),
        in_specs=[
            pl.BlockSpec((T, H), lambda e, f: (0, 0)),
            pl.BlockSpec((1, BF, H), lambda e, f: (e, f, 0)),
            pl.BlockSpec((1, H, BF), lambda e, f: (e, 0, f)),
            pl.BlockSpec((1, BF, H), lambda e, f: (e, f, 0)),
        ],
        out_specs=pl.BlockSpec((1, T, H), lambda e, f: (e, 0, 0)),
        out_shape=jax.ShapeDtypeStruct((E, T, H), jnp.float32),
        compiler_params=pltpu.CompilerParams(
            dimension_semantics=("arbitrary", "arbitrary"),
        ),
    )(x, w1, w2, w3)
    return pl.pallas_call(
        _combine_body,
        in_specs=[
            pl.BlockSpec((T, E), lambda: (0, 0)),
            pl.BlockSpec((E, T, H), lambda: (0, 0, 0)),
        ],
        out_specs=pl.BlockSpec((T, H), lambda: (0, 0)),
        out_shape=jax.ShapeDtypeStruct((T, H), jnp.float32),
    )(cw, y)

# --- scband reference (transcript-rebuilt; emitter-appended) ---
"""Pipeline reference for scband-mixtral-mo-e-62397284876806 (READ-ONLY COPY).

The authoritative reference and input builder live on the scoring server;
editing this copy changes nothing except your own understanding.
"""

import jax, jax.numpy as jnp
import numpy as np

E = 16
TOPK = 2
H = 1024
FF = 3584
T = 64


def setup_inputs(seed: int = 0) -> dict:
    key = jax.random.key(seed)
    ks = jax.random.split(key, 5)
    x = jax.random.normal(ks[0], (T, H), dtype=jnp.float32)
    # nn.Linear weights are [out_features, in_features]
    gate_w = jax.random.normal(ks[1], (E, H), dtype=jnp.float32) * 0.02
    w1 = jax.random.normal(ks[2], (E, FF, H), dtype=jnp.float32) * 0.02
    w2 = jax.random.normal(ks[3], (E, H, FF), dtype=jnp.float32) * 0.02
    w3 = jax.random.normal(ks[4], (E, FF, H), dtype=jnp.float32) * 0.02
    return {"x": x, "gate_w": gate_w, "w1": w1, "w2": w2, "w3": w3}


def reference(x, gate_w, w1, w2, w3):
    # router: Linear(hidden, num_experts), no bias
    router_logits = x @ gate_w.T
    routing_weights = jax.nn.softmax(router_logits, axis=-1)
    # top-k routing with renormalization (Mixtral convention, integer_mode=False)
    top_w, top_idx = jax.lax.top_k(routing_weights, TOPK)
    top_w = top_w / jnp.sum(top_w, axis=-1, keepdims=True)
    # combine weights per (token, expert): sum over k of onehot * weight
    cw = jnp.sum(jax.nn.one_hot(top_idx, E, dtype=x.dtype) * top_w[..., None], axis=1)
    # expert SwiGLU MLPs, computed densely over all experts and masked by cw
    gate = jnp.einsum('th,eih->tei', x, w1)
    up = jnp.einsum('th,eih->tei', x, w3)
    inter = jax.nn.silu(gate) * up
    expert_out = jnp.einsum('tei,ehi->teh', inter, w2)
    out = jnp.einsum('te,teh->th', cw, expert_out)
    return out

if __name__ == "__main__":
    import jax
    _d = setup_inputs()
    print(jax.jit(kernel)(*tuple(_d.values())))

</pallas_src>

<mosaic_0001>
#map = affine_map<(d0, d1) -> (0)>
module attributes {stable_mosaic.version = 14 : i64} {
  func.func @_router_sc(%arg0: i32, %arg1: i32, %arg2: memref<65536xf32, #tpu.memory_space<hbm>>, %arg3: memref<16384xf32, #tpu.memory_space<hbm>>, %arg4: memref<1024xf32, #tpu.memory_space<hbm>>, %arg5: memref<2048xf32, #tpu.memory_space<vmem>>, %arg6: memref<16384xf32, #tpu.memory_space<vmem>>, %arg7: memref<32xf32, #tpu.memory_space<vmem>>) attributes {dimension_semantics = [#tpu.dimension_semantics<core_parallel>, #tpu.dimension_semantics<subcore_parallel>], iteration_bounds = array<i64: 2, 16>, scalar_prefetch = 0 : i64, scratch_operands = 3 : i64, tpu.core_type = #tpu.core_type<sc_vector_subcore>, window_params = [{transform_indices = #map}, {transform_indices = #map}, {transform_indices = #map}]} {
    %mul3A = arith.constant 2 : i32
    %mul3A_0 = arith.muli %arg1, %mul3A : i32
    %add3A = arith.addi %mul3A_0, %arg0 : i32
    %mul3A_1 = arith.constant 2 : i32
    %mul3A_2 = arith.muli %add3A, %mul3A_1 : i32
    %mul3A_3 = arith.constant 1024 : i32
    %mul3A_4 = arith.muli %mul3A_2, %mul3A_3 : i32
    "tpu.region"() ({
      %run_scoped3A = tpu.sem_alloc : memref<!tpu.dma_semaphore, #tpu.memory_space<semaphore_mem>>
      %dma_start3A = tpu.memref_slice %arg2[%mul3A_4] : memref<65536xf32, #tpu.memory_space<hbm>> -> memref<2048xf32, #tpu.memory_space<hbm>>
      %dma_start3A_405 = tpu.memref_slice %arg2[%mul3A_4] : memref<65536xf32, #tpu.memory_space<hbm>> -> memref<2048xf32, #tpu.memory_space<hbm>>
      tpu.enqueue_dma source(%dma_start3A_405 : memref<2048xf32, #tpu.memory_space<hbm>>) target(%arg5 : memref<2048xf32, #tpu.memory_space<vmem>>) target_semaphore(%run_scoped3A : memref<!tpu.dma_semaphore, #tpu.memory_space<semaphore_mem>>)
      %dma_wait3A = tpu.memref_slice %arg2[%mul3A_4] : memref<65536xf32, #tpu.memory_space<hbm>> -> memref<2048xf32, #tpu.memory_space<hbm>>
      %dma_wait3A_406 = tpu.memref_slice %arg2[%mul3A_4] : memref<65536xf32, #tpu.memory_space<hbm>> -> memref<2048xf32, #tpu.memory_space<hbm>>
      tpu.wait_dma2 semaphore(%run_scoped3A : memref<!tpu.dma_semaphore, #tpu.memory_space<semaphore_mem>>) src(%dma_wait3A_406 : memref<2048xf32, #tpu.memory_space<hbm>>) dst(%arg5 : memref<2048xf32, #tpu.memory_space<vmem>>)
      tpu.yield
    }) : () -> ()
    "tpu.region"() ({
      %run_scoped3A = tpu.sem_alloc : memref<!tpu.dma_semaphore, #tpu.memory_space<semaphore_mem>>
      tpu.enqueue_dma source(%arg3 : memref<16384xf32, #tpu.memory_space<hbm>>) target(%arg6 : memref<16384xf32, #tpu.memory_space<vmem>>) target_semaphore(%run_scoped3A : memref<!tpu.dma_semaphore, #tpu.memory_space<semaphore_mem>>)
      tpu.wait_dma2 semaphore(%run_scoped3A : memref<!tpu.dma_semaphore, #tpu.memory_space<semaphore_mem>>) src(%arg3 : memref<16384xf32, #tpu.memory_space<hbm>>) dst(%arg6 : memref<16384xf32, #tpu.memory_space<vmem>>)
      tpu.yield
    }) : () -> ()
    %broadcast_in_dim3A = arith.constant 0.000000e+00 : f32
    %broadcast_in_dim3A_5 = vector.broadcast %broadcast_in_dim3A : f32 to vector<16xf32>
    %scan3A = arith.constant 0 : i32
    %scan3A_6 = arith.constant 64 : i32
    %scan3A_7 = arith.addi %scan3A, %scan3A_6 : i32
    %scan3A_8 = arith.constant 1 : i32
    %scan3A_9 = scf.for %scan3A_405 = %scan3A to %scan3A_7 step %scan3A_8 iter_args(%scan3A_406 = %broadcast_in_dim3A_5) -> (vector<16xf32>)  : i32 {
      %mul3A_407 = arith.constant 16 : i32
      %mul3A_408 = arith.muli %scan3A_405, %mul3A_407 : i32
      %add3A_409 = arith.constant 0 : i32
      %add3A_410 = arith.addi %add3A_409, %mul3A_408 : i32
      %get3A = arith.index_cast %add3A_410 : i32 to index
      %get3A_411 = tpu.vector_load %arg5[%get3A] {strides = array<i32>} : memref<2048xf32, #tpu.memory_space<vmem>>, vector<16xf32>,
      %get3A_412 = vector.shape_cast %get3A_411 : vector<16xf32> to vector<16xf32>
      %slice3A = vector.extract_strided_slice %get3A_412 {offsets = [0], sizes = [1], strides = [1]} : vector<16xf32> to vector<1xf32>
      %squeeze3A = vector.extract %slice3A[0] : f32 from vector<1xf32>
      %mul3A_413 = arith.constant 16 : i32
      %mul3A_414 = arith.muli %scan3A_405, %mul3A_413 : i32
      %add3A_415 = arith.constant 0 : i32
      %add3A_416 = arith.addi %mul3A_414, %add3A_415 : i32
      %mul3A_417 = arith.constant 16 : i32
      %mul3A_418 = arith.muli %add3A_416, %mul3A_417 : i32
      %get3A_419 = arith.index_cast %mul3A_418 : i32 to index
      %get3A_420 = tpu.vector_load %arg6[%get3A_419] {strides = array<i32>} : memref<16384xf32, #tpu.memory_space<vmem>>, vector<16xf32>,
      %get3A_421 = vector.shape_cast %get3A_420 : vector<16xf32> to vector<16xf32>
      %mul3A_422 = vector.broadcast %squeeze3A : f32 to vector<16xf32>
      %mul3A_423 = arith.mulf %mul3A_422, %get3A_421 : vector<16xf32>
      %add3A_424 = arith.addf %scan3A_406, %mul3A_423 : vector<16xf32>
      %slice3A_425 = vector.extract_strided_slice %get3A_412 {offsets = [1], sizes = [1], strides = [1]} : vector<16xf32> to vector<1xf32>
      %squeeze3A_426 = vector.extract %slice3A_425[0] : f32 from vector<1xf32>
      %mul3A_427 = arith.constant 16 : i32
      %mul3A_428 = arith.muli %scan3A_405, %mul3A_427 : i32
      %add3A_429 = arith.constant 1 : i32
      %add3A_430 = arith.addi %mul3A_428, %add3A_429 : i32
      %mul3A_431 = arith.constant 16 : i32
      %mul3A_432 = arith.muli %add3A_430, %mul3A_431 : i32
      %get3A_433 = arith.index_cast %mul3A_432 : i32 to index
      %get3A_434 = tpu.vector_load %arg6[%get3A_433] {strides = array<i32>} : memref<16384xf32, #tpu.memory_space<vmem>>, vector<16xf32>,
      %get3A_435 = vector.shape_cast %get3A_434 : vector<16xf32> to vector<16xf32>
      %mul3A_436 = vector.broadcast %squeeze3A_426 : f32 to vector<16xf32>
      %mul3A_437 = arith.mulf %mul3A_436, %get3A_435 : vector<16xf32>
      %add3A_438 = arith.addf %add3A_424, %mul3A_437 : vector<16xf32>
      %slice3A_439 = vector.extract_strided_slice %get3A_412 {offsets = [2], sizes = [1], strides = [1]} : vector<16xf32> to vector<1xf32>
      %squeeze3A_440 = vector.extract %slice3A_439[0] : f32 from vector<1xf32>
      %mul3A_441 = arith.constant 16 : i32
      %mul3A_442 = arith.muli %scan3A_405, %mul3A_441 : i32
      %add3A_443 = arith.constant 2 : i32
      %add3A_444 = arith.addi %mul3A_442, %add3A_443 : i32
      %mul3A_445 = arith.constant 16 : i32
      %mul3A_446 = arith.muli %add3A_444, %mul3A_445 : i32
      %get3A_447 = arith.index_cast %mul3A_446 : i32 to index
      %get3A_448 = tpu.vector_load %arg6[%get3A_447] {strides = array<i32>} : memref<16384xf32, #tpu.memory_space<vmem>>, vector<16xf32>,
      %get3A_449 = vector.shape_cast %get3A_448 : vector<16xf32> to vector<16xf32>
      %mul3A_450 = vector.broadcast %squeeze3A_440 : f32 to vector<16xf32>
      %mul3A_451 = arith.mulf %mul3A_450, %get3A_449 : vector<16xf32>
      %add3A_452 = arith.addf %add3A_438, %mul3A_451 : vector<16xf32>
      %slice3A_453 = vector.extract_strided_slice %get3A_412 {offsets = [3], sizes = [1], strides = [1]} : vector<16xf32> to vector<1xf32>
      %squeeze3A_454 = vector.extract %slice3A_453[0] : f32 from vector<1xf32>
      %mul3A_455 = arith.constant 16 : i32
      %mul3A_456 = arith.muli %scan3A_405, %mul3A_455 : i32
      %add3A_457 = arith.constant 3 : i32
      %add3A_458 = arith.addi %mul3A_456, %add3A_457 : i32
      %mul3A_459 = arith.constant 16 : i32
      %mul3A_460 = arith.muli %add3A_458, %mul3A_459 : i32
      %get3A_461 = arith.index_cast %mul3A_460 : i32 to index
      %get3A_462 = tpu.vector_load %arg6[%get3A_461] {strides = array<i32>} : memref<16384xf32, #tpu.memory_space<vmem>>, vector<16xf32>,
      %get3A_463 = vector.shape_cast %get3A_462 : vector<16xf32> to vector<16xf32>
      %mul3A_464 = vector.broadcast %squeeze3A_454 : f32 to vector<16xf32>
      %mul3A_465 = arith.mulf %mul3A_464, %get3A_463 : vector<16xf32>
      %add3A_466 = arith.addf %add3A_452, %mul3A_465 : vector<16xf32>
      %slice3A_467 = vector.extract_strided_slice %get3A_412 {offsets = [4], sizes = [1], strides = [1]} : vector<16xf32> to vector<1xf32>
      %squeeze3A_468 = vector.extract %slice3A_467[0] : f32 from vector<1xf32>
      %mul3A_469 = arith.constant 16 : i32
      %mul3A_470 = arith.muli %scan3A_405, %mul3A_469 : i32
      %add3A_471 = arith.constant 4 : i32
      %add3A_472 = arith.addi %mul3A_470, %add3A_471 : i32
      %mul3A_473 = arith.constant 16 : i32
      %mul3A_474 = arith.muli %add3A_472, %mul3A_473 : i32
      %get3A_475 = arith.index_cast %mul3A_474 : i32 to index
      %get3A_476 = tpu.vector_load %arg6[%get3A_475] {strides = array<i32>} : memref<16384xf32, #tpu.memory_space<vmem>>, vector<16xf32>,
      %get3A_477 = vector.shape_cast %get3A_476 : vector<16xf32> to vector<16xf32>
      %mul3A_478 = vector.broadcast %squeeze3A_468 : f32 to vector<16xf32>
      %mul3A_479 = arith.mulf %mul3A_478, %get3A_477 : vector<16xf32>
      %add3A_480 = arith.addf %add3A_466, %mul3A_479 : vector<16xf32>
      %slice3A_481 = vector.extract_strided_slice %get3A_412 {offsets = [5], sizes = [1], strides = [1]} : vector<16xf32> to vector<1xf32>
      %squeeze3A_482 = vector.extract %slice3A_481[0] : f32 from vector<1xf32>
      %mul3A_483 = arith.constant 16 : i32
      %mul3A_484 = arith.muli %scan3A_405, %mul3A_483 : i32
      %add3A_485 = arith.constant 5 : i32
      %add3A_486 = arith.addi %mul3A_484, %add3A_485 : i32
      %mul3A_487 = arith.constant 16 : i32
      %mul3A_488 = arith.muli %add3A_486, %mul3A_487 : i32
      %get3A_489 = arith.index_cast %mul3A_488 : i32 to index
      %get3A_490 = tpu.vector_load %arg6[%get3A_489] {strides = array<i32>} : memref<16384xf32, #tpu.memory_space<vmem>>, vector<16xf32>,
      %get3A_491 = vector.shape_cast %get3A_490 : vector<16xf32> to vector<16xf32>
      %mul3A_492 = vector.broadcast %squeeze3A_482 : f32 to vector<16xf32>
      %mul3A_493 = arith.mulf %mul3A_492, %get3A_491 : vector<16xf32>
      %add3A_494 = arith.addf %add3A_480, %mul3A_493 : vector<16xf32>
      %slice3A_495 = vector.extract_strided_slice %get3A_412 {offsets = [6], sizes = [1], strides = [1]} : vector<16xf32> to vector<1xf32>
      %squeeze3A_496 = vector.extract %slice3A_495[0] : f32 from vector<1xf32>
      %mul3A_497 = arith.constant 16 : i32
      %mul3A_498 = arith.muli %scan3A_405, %mul3A_497 : i32
      %add3A_499 = arith.constant 6 : i32
      %add3A_500 = arith.addi %mul3A_498, %add3A_499 : i32
      %mul3A_501 = arith.constant 16 : i32
      %mul3A_502 = arith.muli %add3A_500, %mul3A_501 : i32
      %get3A_503 = arith.index_cast %mul3A_502 : i32 to index
      %get3A_504 = tpu.vector_load %arg6[%get3A_503] {strides = array<i32>} : memref<16384xf32, #tpu.memory_space<vmem>>, vector<16xf32>,
      %get3A_505 = vector.shape_cast %get3A_504 : vector<16xf32> to vector<16xf32>
      %mul3A_506 = vector.broadcast %squeeze3A_496 : f32 to vector<16xf32>
      %mul3A_507 = arith.mulf %mul3A_506, %get3A_505 : vector<16xf32>
      %add3A_508 = arith.addf %add3A_494, %mul3A_507 : vector<16xf32>
      %slice3A_509 = vector.extract_strided_slice %get3A_412 {offsets = [7], sizes = [1], strides = [1]} : vector<16xf32> to vector<1xf32>
      %squeeze3A_510 = vector.extract %slice3A_509[0] : f32 from vector<1xf32>
      %mul3A_511 = arith.constant 16 : i32
      %mul3A_512 = arith.muli %scan3A_405, %mul3A_511 : i32
      %add3A_513 = arith.constant 7 : i32
      %add3A_514 = arith.addi %mul3A_512, %add3A_513 : i32
      %mul3A_515 = arith.constant 16 : i32
      %mul3A_516 = arith.muli %add3A_514, %mul3A_515 : i32
      %get3A_517 = arith.index_cast %mul3A_516 : i32 to index
      %get3A_518 = tpu.vector_load %arg6[%get3A_517] {strides = array<i32>} : memref<16384xf32, #tpu.memory_space<vmem>>, vector<16xf32>,
      %get3A_519 = vector.shape_cast %get3A_518 : vector<16xf32> to vector<16xf32>
      %mul3A_520 = vector.broadcast %squeeze3A_510 : f32 to vector<16xf32>
      %mul3A_521 = arith.mulf %mul3A_520, %get3A_519 : vector<16xf32>
      %add3A_522 = arith.addf %add3A_508, %mul3A_521 : vector<16xf32>
      %slice3A_523 = vector.extract_strided_slice %get3A_412 {offsets = [8], sizes = [1], strides = [1]} : vector<16xf32> to vector<1xf32>
      %squeeze3A_524 = vector.extract %slice3A_523[0] : f32 from vector<1xf32>
      %mul3A_525 = arith.constant 16 : i32
      %mul3A_526 = arith.muli %scan3A_405, %mul3A_525 : i32
      %add3A_527 = arith.constant 8 : i32
      %add3A_528 = arith.addi %mul3A_526, %add3A_527 : i32
      %mul3A_529 = arith.constant 16 : i32
      %mul3A_530 = arith.muli %add3A_528, %mul3A_529 : i32
      %get3A_531 = arith.index_cast %mul3A_530 : i32 to index
      %get3A_532 = tpu.vector_load %arg6[%get3A_531] {strides = array<i32>} : memref<16384xf32, #tpu.memory_space<vmem>>, vector<16xf32>,
      %get3A_533 = vector.shape_cast %get3A_532 : vector<16xf32> to vector<16xf32>
      %mul3A_534 = vector.broadcast %squeeze3A_524 : f32 to vector<16xf32>
      %mul3A_535 = arith.mulf %mul3A_534, %get3A_533 : vector<16xf32>
      %add3A_536 = arith.addf %add3A_522, %mul3A_535 : vector<16xf32>
      %slice3A_537 = vector.extract_strided_slice %get3A_412 {offsets = [9], sizes = [1], strides = [1]} : vector<16xf32> to vector<1xf32>
      %squeeze3A_538 = vector.extract %slice3A_537[0] : f32 from vector<1xf32>
      %mul3A_539 = arith.constant 16 : i32
      %mul3A_540 = arith.muli %scan3A_405, %mul3A_539 : i32
      %add3A_541 = arith.constant 9 : i32
      %add3A_542 = arith.addi %mul3A_540, %add3A_541 : i32
      %mul3A_543 = arith.constant 16 : i32
      %mul3A_544 = arith.muli %add3A_542, %mul3A_543 : i32
      %get3A_545 = arith.index_cast %mul3A_544 : i32 to index
      %get3A_546 = tpu.vector_load %arg6[%get3A_545] {strides = array<i32>} : memref<16384xf32, #tpu.memory_space<vmem>>, vector<16xf32>,
      %get3A_547 = vector.shape_cast %get3A_546 : vector<16xf32> to vector<16xf32>
      %mul3A_548 = vector.broadcast %squeeze3A_538 : f32 to vector<16xf32>
      %mul3A_549 = arith.mulf %mul3A_548, %get3A_547 : vector<16xf32>
      %add3A_550 = arith.addf %add3A_536, %mul3A_549 : vector<16xf32>
      %slice3A_551 = vector.extract_strided_slice %get3A_412 {offsets = [10], sizes = [1], strides = [1]} : vector<16xf32> to vector<1xf32>
      %squeeze3A_552 = vector.extract %slice3A_551[0] : f32 from vector<1xf32>
      %mul3A_553 = arith.constant 16 : i32
      %mul3A_554 = arith.muli %scan3A_405, %mul3A_553 : i32
      %add3A_555 = arith.constant 10 : i32
      %add3A_556 = arith.addi %mul3A_554, %add3A_555 : i32
      %mul3A_557 = arith.constant 16 : i32
      %mul3A_558 = arith.muli %add3A_556, %mul3A_557 : i32
      %get3A_559 = arith.index_cast %mul3A_558 : i32 to index
      %get3A_560 = tpu.vector_load %arg6[%get3A_559] {strides = array<i32>} : memref<16384xf32, #tpu.memory_space<vmem>>, vector<16xf32>,
      %get3A_561 = vector.shape_cast %get3A_560 : vector<16xf32> to vector<16xf32>
      %mul3A_562 = vector.broadcast %squeeze3A_552 : f32 to vector<16xf32>
      %mul3A_563 = arith.mulf %mul3A_562, %get3A_561 : vector<16xf32>
      %add3A_564 = arith.addf %add3A_550, %mul3A_563 : vector<16xf32>
      %slice3A_565 = vector.extract_strided_slice %get3A_412 {offsets = [11], sizes = [1], strides = [1]} : vector<16xf32> to vector<1xf32>
      %squeeze3A_566 = vector.extract %slice3A_565[0] : f32 from vector<1xf32>
      %mul3A_567 = arith.constant 16 : i32
      %mul3A_568 = arith.muli %scan3A_405, %mul3A_567 : i32
      %add3A_569 = arith.constant 11 : i32
      %add3A_570 = arith.addi %mul3A_568, %add3A_569 : i32
      %mul3A_571 = arith.constant 16 : i32
      %mul3A_572 = arith.muli %add3A_570, %mul3A_571 : i32
      %get3A_573 = arith.index_cast %mul3A_572 : i32 to index
      %get3A_574 = tpu.vector_load %arg6[%get3A_573] {strides = array<i32>} : memref<16384xf32, #tpu.memory_space<vmem>>, vector<16xf32>,
      %get3A_575 = vector.shape_cast %get3A_574 : vector<16xf32> to vector<16xf32>
      %mul3A_576 = vector.broadcast %squeeze3A_566 : f32 to vector<16xf32>
      %mul3A_577 = arith.mulf %mul3A_576, %get3A_575 : vector<16xf32>
      %add3A_578 = arith.addf %add3A_564, %mul3A_577 : vector<16xf32>
      %slice3A_579 = vector.extract_strided_slice %get3A_412 {offsets = [12], sizes = [1], strides = [1]} : vector<16xf32> to vector<1xf32>
      %squeeze3A_580 = vector.extract %slice3A_579[0] : f32 from vector<1xf32>
      %mul3A_581 = arith.constant 16 : i32
      %mul3A_582 = arith.muli %scan3A_405, %mul3A_581 : i32
      %add3A_583 = arith.constant 12 : i32
      %add3A_584 = arith.addi %mul3A_582, %add3A_583 : i32
      %mul3A_585 = arith.constant 16 : i32
      %mul3A_586 = arith.muli %add3A_584, %mul3A_585 : i32
      %get3A_587 = arith.index_cast %mul3A_586 : i32 to index
      %get3A_588 = tpu.vector_load %arg6[%get3A_587] {strides = array<i32>} : memref<16384xf32, #tpu.memory_space<vmem>>, vector<16xf32>,
      %get3A_589 = vector.shape_cast %get3A_588 : vector<16xf32> to vector<16xf32>
      %mul3A_590 = vector.broadcast %squeeze3A_580 : f32 to vector<16xf32>
      %mul3A_591 = arith.mulf %mul3A_590, %get3A_589 : vector<16xf32>
      %add3A_592 = arith.addf %add3A_578, %mul3A_591 : vector<16xf32>
      %slice3A_593 = vector.extract_strided_slice %get3A_412 {offsets = [13], sizes = [1], strides = [1]} : vector<16xf32> to vector<1xf32>
      %squeeze3A_594 = vector.extract %slice3A_593[0] : f32 from vector<1xf32>
      %mul3A_595 = arith.constant 16 : i32
      %mul3A_596 = arith.muli %scan3A_405, %mul3A_595 : i32
      %add3A_597 = arith.constant 13 : i32
      %add3A_598 = arith.addi %mul3A_596, %add3A_597 : i32
      %mul3A_599 = arith.constant 16 : i32
      %mul3A_600 = arith.muli %add3A_598, %mul3A_599 : i32
      %get3A_601 = arith.index_cast %mul3A_600 : i32 to index
      %get3A_602 = tpu.vector_load %arg6[%get3A_601] {strides = array<i32>} : memref<16384xf32, #tpu.memory_space<vmem>>, vector<16xf32>,
      %get3A_603 = vector.shape_cast %get3A_602 : vector<16xf32> to vector<16xf32>
      %mul3A_604 = vector.broadcast %squeeze3A_594 : f32 to vector<16xf32>
      %mul3A_605 = arith.mulf %mul3A_604, %get3A_603 : vector<16xf32>
      %add3A_606 = arith.addf %add3A_592, %mul3A_605 : vector<16xf32>
      %slice3A_607 = vector.extract_strided_slice %get3A_412 {offsets = [14], sizes = [1], strides = [1]} : vector<16xf32> to vector<1xf32>
      %squeeze3A_608 = vector.extract %slice3A_607[0] : f32 from vector<1xf32>
      %mul3A_609 = arith.constant 16 : i32
      %mul3A_610 = arith.muli %scan3A_405, %mul3A_609 : i32
      %add3A_611 = arith.constant 14 : i32
      %add3A_612 = arith.addi %mul3A_610, %add3A_611 : i32
      %mul3A_613 = arith.constant 16 : i32
      %mul3A_614 = arith.muli %add3A_612, %mul3A_613 : i32
      %get3A_615 = arith.index_cast %mul3A_614 : i32 to index
      %get3A_616 = tpu.vector_load %arg6[%get3A_615] {strides = array<i32>} : memref<16384xf32, #tpu.memory_space<vmem>>, vector<16xf32>,
      %get3A_617 = vector.shape_cast %get3A_616 : vector<16xf32> to vector<16xf32>
      %mul3A_618 = vector.broadcast %squeeze3A_608 : f32 to vector<16xf32>
      %mul3A_619 = arith.mulf %mul3A_618, %get3A_617 : vector<16xf32>
      %add3A_620 = arith.addf %add3A_606, %mul3A_619 : vector<16xf32>
      %slice3A_621 = vector.extract_strided_slice %get3A_412 {offsets = [15], sizes = [1], strides = [1]} : vector<16xf32> to vector<1xf32>
      %squeeze3A_622 = vector.extract %slice3A_621[0] : f32 from vector<1xf32>
      %mul3A_623 = arith.constant 16 : i32
      %mul3A_624 = arith.muli %scan3A_405, %mul3A_623 : i32
      %add3A_625 = arith.constant 15 : i32
      %add3A_626 = arith.addi %mul3A_624, %add3A_625 : i32
      %mul3A_627 = arith.constant 16 : i32
      %mul3A_628 = arith.muli %add3A_626, %mul3A_627 : i32
      %get3A_629 = arith.index_cast %mul3A_628 : i32 to index
      %get3A_630 = tpu.vector_load %arg6[%get3A_629] {strides = array<i32>} : memref<16384xf32, #tpu.memory_space<vmem>>, vector<16xf32>,
      %get3A_631 = vector.shape_cast %get3A_630 : vector<16xf32> to vector<16xf32>
      %mul3A_632 = vector.broadcast %squeeze3A_622 : f32 to vector<16xf32>
      %mul3A_633 = arith.mulf %mul3A_632, %get3A_631 : vector<16xf32>
      %add3A_634 = arith.addf %add3A_620, %mul3A_633 : vector<16xf32>
      scf.yield %add3A_634 : vector<16xf32>
    }
    %scan3A_10 = arith.constant 64 : i32
    %iota3A = tpu.iota {dimensions = array<i32: 0>} : vector<16xi32>
    %xor3A = arith.constant 8 : i32
    %xor3A_11 = vector.broadcast %xor3A : i32 to vector<16xi32>
    %xor3A_12 = arith.xori %iota3A, %xor3A_11 : vector<16xi32>
    %broadcast_in_dim3A_13 = vector.shape_cast %xor3A_12 : vector<16xi32> to vector<16x1xi32>
    %gather3A = vector.shape_cast %broadcast_in_dim3A_13 : vector<16x1xi32> to vector<16xi32>
    %gather3A_14 = tpu.dynamic_gather %scan3A_9[%gather3A] in [0] : vector<16xf32>, vector<16xi32> -> vector<16xf32>
    %max3A = arith.maximumf %scan3A_9, %gather3A_14 : vector<16xf32>
    %xor3A_15 = arith.constant 4 : i32
    %xor3A_16 = vector.broadcast %xor3A_15 : i32 to vector<16xi32>
    %xor3A_17 = arith.xori %iota3A, %xor3A_16 : vector<16xi32>
    %broadcast_in_dim3A_18 = vector.shape_cast %xor3A_17 : vector<16xi32> to vector<16x1xi32>
    %gather3A_19 = vector.shape_cast %broadcast_in_dim3A_18 : vector<16x1xi32> to vector<16xi32>
    %gather3A_20 = tpu.dynamic_gather %max3A[%gather3A_19] in [0] : vector<16xf32>, vector<16xi32> -> vector<16xf32>
    %max3A_21 = arith.maximumf %max3A, %gather3A_20 : vector<16xf32>
    %xor3A_22 = arith.constant 2 : i32
    %xor3A_23 = vector.broadcast %xor3A_22 : i32 to vector<16xi32>
    %xor3A_24 = arith.xori %iota3A, %xor3A_23 : vector<16xi32>
    %broadcast_in_dim3A_25 = vector.shape_cast %xor3A_24 : vector<16xi32> to vector<16x1xi32>
    %gather3A_26 = vector.shape_cast %broadcast_in_dim3A_25 : vector<16x1xi32> to vector<16xi32>
    %gather3A_27 = tpu.dynamic_gather %max3A_21[%gather3A_26] in [0] : vector<16xf32>, vector<16xi32> -> vector<16xf32>
    %max3A_28 = arith.maximumf %max3A_21, %gather3A_27 : vector<16xf32>
    %xor3A_29 = arith.constant 1 : i32
    %xor3A_30 = vector.broadcast %xor3A_29 : i32 to vector<16xi32>
    %xor3A_31 = arith.xori %iota3A, %xor3A_30 : vector<16xi32>
    %broadcast_in_dim3A_32 = vector.shape_cast %xor3A_31 : vector<16xi32> to vector<16x1xi32>
    %gather3A_33 = vector.shape_cast %broadcast_in_dim3A_32 : vector<16x1xi32> to vector<16xi32>
    %gather3A_34 = tpu.dynamic_gather %max3A_28[%gather3A_33] in [0] : vector<16xf32>, vector<16xi32> -> vector<16xf32>
    %max3A_35 = arith.maximumf %max3A_28, %gather3A_34 : vector<16xf32>
    %sub3A = arith.subf %scan3A_9, %max3A_35 : vector<16xf32>
    %exp3A = math.exp %sub3A : vector<16xf32>
    %xor3A_36 = arith.constant 8 : i32
    %xor3A_37 = vector.broadcast %xor3A_36 : i32 to vector<16xi32>
    %xor3A_38 = arith.xori %iota3A, %xor3A_37 : vector<16xi32>
    %broadcast_in_dim3A_39 = vector.shape_cast %xor3A_38 : vector<16xi32> to vector<16x1xi32>
    %gather3A_40 = vector.shape_cast %broadcast_in_dim3A_39 : vector<16x1xi32> to vector<16xi32>
    %gather3A_41 = tpu.dynamic_gather %exp3A[%gather3A_40] in [0] : vector<16xf32>, vector<16xi32> -> vector<16xf32>
    %add3A_42 = arith.addf %exp3A, %gather3A_41 : vector<16xf32>
    %xor3A_43 = arith.constant 4 : i32
    %xor3A_44 = vector.broadcast %xor3A_43 : i32 to vector<16xi32>
    %xor3A_45 = arith.xori %iota3A, %xor3A_44 : vector<16xi32>
    %broadcast_in_dim3A_46 = vector.shape_cast %xor3A_45 : vector<16xi32> to vector<16x1xi32>
    %gather3A_47 = vector.shape_cast %broadcast_in_dim3A_46 : vector<16x1xi32> to vector<16xi32>
    %gather3A_48 = tpu.dynamic_gather %add3A_42[%gather3A_47] in [0] : vector<16xf32>, vector<16xi32> -> vector<16xf32>
    %add3A_49 = arith.addf %add3A_42, %gather3A_48 : vector<16xf32>
    %xor3A_50 = arith.constant 2 : i32
    %xor3A_51 = vector.broadcast %xor3A_50 : i32 to vector<16xi32>
    %xor3A_52 = arith.xori %iota3A, %xor3A_51 : vector<16xi32>
    %broadcast_in_dim3A_53 = vector.shape_cast %xor3A_52 : vector<16xi32> to vector<16x1xi32>
    %gather3A_54 = vector.shape_cast %broadcast_in_dim3A_53 : vector<16x1xi32> to vector<16xi32>
    %gather3A_55 = tpu.dynamic_gather %add3A_49[%gather3A_54] in [0] : vector<16xf32>, vector<16xi32> -> vector<16xf32>
    %add3A_56 = arith.addf %add3A_49, %gather3A_55 : vector<16xf32>
    %xor3A_57 = arith.constant 1 : i32
    %xor3A_58 = vector.broadcast %xor3A_57 : i32 to vector<16xi32>
    %xor3A_59 = arith.xori %iota3A, %xor3A_58 : vector<16xi32>
    %broadcast_in_dim3A_60 = vector.shape_cast %xor3A_59 : vector<16xi32> to vector<16x1xi32>
    %gather3A_61 = vector.shape_cast %broadcast_in_dim3A_60 : vector<16x1xi32> to vector<16xi32>
    %gather3A_62 = tpu.dynamic_gather %add3A_56[%gather3A_61] in [0] : vector<16xf32>, vector<16xi32> -> vector<16xf32>
    %add3A_63 = arith.addf %add3A_56, %gather3A_62 : vector<16xf32>
    %div3A = arith.divf %exp3A, %add3A_63 : vector<16xf32>
    %xor3A_64 = arith.constant 8 : i32
    %xor3A_65 = vector.broadcast %xor3A_64 : i32 to vector<16xi32>
    %xor3A_66 = arith.xori %iota3A, %xor3A_65 : vector<16xi32>
    %broadcast_in_dim3A_67 = vector.shape_cast %xor3A_66 : vector<16xi32> to vector<16x1xi32>
    %gather3A_68 = vector.shape_cast %broadcast_in_dim3A_67 : vector<16x1xi32> to vector<16xi32>
    %gather3A_69 = tpu.dynamic_gather %div3A[%gather3A_68] in [0] : vector<16xf32>, vector<16xi32> -> vector<16xf32>
    %max3A_70 = arith.maximumf %div3A, %gather3A_69 : vector<16xf32>
    %xor3A_71 = arith.constant 4 : i32
    %xor3A_72 = vector.broadcast %xor3A_71 : i32 to vector<16xi32>
    %xor3A_73 = arith.xori %iota3A, %xor3A_72 : vector<16xi32>
    %broadcast_in_dim3A_74 = vector.shape_cast %xor3A_73 : vector<16xi32> to vector<16x1xi32>
    %gather3A_75 = vector.shape_cast %broadcast_in_dim3A_74 : vector<16x1xi32> to vector<16xi32>
    %gather3A_76 = tpu.dynamic_gather %max3A_70[%gather3A_75] in [0] : vector<16xf32>, vector<16xi32> -> vector<16xf32>
    %max3A_77 = arith.maximumf %max3A_70, %gather3A_76 : vector<16xf32>
    %xor3A_78 = arith.constant 2 : i32
    %xor3A_79 = vector.broadcast %xor3A_78 : i32 to vector<16xi32>
    %xor3A_80 = arith.xori %iota3A, %xor3A_79 : vector<16xi32>
    %broadcast_in_dim3A_81 = vector.shape_cast %xor3A_80 : vector<16xi32> to vector<16x1xi32>
    %gather3A_82 = vector.shape_cast %broadcast_in_dim3A_81 : vector<16x1xi32> to vector<16xi32>
    %gather3A_83 = tpu.dynamic_gather %max3A_77[%gather3A_82] in [0] : vector<16xf32>, vector<16xi32> -> vector<16xf32>
    %max3A_84 = arith.maximumf %max3A_77, %gather3A_83 : vector<16xf32>
    %xor3A_85 = arith.constant 1 : i32
    %xor3A_86 = vector.broadcast %xor3A_85 : i32 to vector<16xi32>
    %xor3A_87 = arith.xori %iota3A, %xor3A_86 : vector<16xi32>
    %broadcast_in_dim3A_88 = vector.shape_cast %xor3A_87 : vector<16xi32> to vector<16x1xi32>
    %gather3A_89 = vector.shape_cast %broadcast_in_dim3A_88 : vector<16x1xi32> to vector<16xi32>
    %gather3A_90 = tpu.dynamic_gather %max3A_84[%gather3A_89] in [0] : vector<16xf32>, vector<16xi32> -> vector<16xf32>
    %max3A_91 = arith.maximumf %max3A_84, %gather3A_90 : vector<16xf32>
    %eq3A = arith.cmpf oeq, %div3A, %max3A_91 : vector<16xf32>
    %jit3A = arith.constant 16 : i32
    %broadcast_in_dim3A_92 = vector.broadcast %jit3A : i32 to vector<16xi32>
    %select_n3A = arith.select %eq3A, %iota3A, %broadcast_in_dim3A_92 : vector<16xi1>, vector<16xi32>
    %xor3A_93 = arith.constant 8 : i32
    %xor3A_94 = vector.broadcast %xor3A_93 : i32 to vector<16xi32>
    %xor3A_95 = arith.xori %iota3A, %xor3A_94 : vector<16xi32>
    %broadcast_in_dim3A_96 = vector.shape_cast %xor3A_95 : vector<16xi32> to vector<16x1xi32>
    %gather3A_97 = vector.shape_cast %broadcast_in_dim3A_96 : vector<16x1xi32> to vector<16xi32>
    %gather3A_98 = tpu.dynamic_gather %select_n3A[%gather3A_97] in [0] : vector<16xi32>, vector<16xi32> -> vector<16xi32>
    %min3A = arith.minsi %select_n3A, %gather3A_98 : vector<16xi32>
    %xor3A_99 = arith.constant 4 : i32
    %xor3A_100 = vector.broadcast %xor3A_99 : i32 to vector<16xi32>
    %xor3A_101 = arith.xori %iota3A, %xor3A_100 : vector<16xi32>
    %broadcast_in_dim3A_102 = vector.shape_cast %xor3A_101 : vector<16xi32> to vector<16x1xi32>
    %gather3A_103 = vector.shape_cast %broadcast_in_dim3A_102 : vector<16x1xi32> to vector<16xi32>
    %gather3A_104 = tpu.dynamic_gather %min3A[%gather3A_103] in [0] : vector<16xi32>, vector<16xi32> -> vector<16xi32>
    %min3A_105 = arith.minsi %min3A, %gather3A_104 : vector<16xi32>
    %xor3A_106 = arith.constant 2 : i32
    %xor3A_107 = vector.broadcast %xor3A_106 : i32 to vector<16xi32>
    %xor3A_108 = arith.xori %iota3A, %xor3A_107 : vector<16xi32>
    %broadcast_in_dim3A_109 = vector.shape_cast %xor3A_108 : vector<16xi32> to vector<16x1xi32>
    %gather3A_110 = vector.shape_cast %broadcast_in_dim3A_109 : vector<16x1xi32> to vector<16xi32>
    %gather3A_111 = tpu.dynamic_gather %min3A_105[%gather3A_110] in [0] : vector<16xi32>, vector<16xi32> -> vector<16xi32>
    %min3A_112 = arith.minsi %min3A_105, %gather3A_111 : vector<16xi32>
    %xor3A_113 = arith.constant 1 : i32
    %xor3A_114 = vector.broadcast %xor3A_113 : i32 to vector<16xi32>
    %xor3A_115 = arith.xori %iota3A, %xor3A_114 : vector<16xi32>
    %broadcast_in_dim3A_116 = vector.shape_cast %xor3A_115 : vector<16xi32> to vector<16x1xi32>
    %gather3A_117 = vector.shape_cast %broadcast_in_dim3A_116 : vector<16x1xi32> to vector<16xi32>
    %gather3A_118 = tpu.dynamic_gather %min3A_112[%gather3A_117] in [0] : vector<16xi32>, vector<16xi32> -> vector<16xi32>
    %min3A_119 = arith.minsi %min3A_112, %gather3A_118 : vector<16xi32>
    %eq3A_120 = arith.cmpi eq, %iota3A, %min3A_119 : vector<16xi32>
    %jit3A_121 = arith.constant -1.000000e+00 : f32
    %broadcast_in_dim3A_122 = vector.broadcast %jit3A_121 : f32 to vector<16xf32>
    %select_n3A_123 = arith.select %eq3A_120, %broadcast_in_dim3A_122, %div3A : vector<16xi1>, vector<16xf32>
    %xor3A_124 = arith.constant 8 : i32
    %xor3A_125 = vector.broadcast %xor3A_124 : i32 to vector<16xi32>
    %xor3A_126 = arith.xori %iota3A, %xor3A_125 : vector<16xi32>
    %broadcast_in_dim3A_127 = vector.shape_cast %xor3A_126 : vector<16xi32> to vector<16x1xi32>
    %gather3A_128 = vector.shape_cast %broadcast_in_dim3A_127 : vector<16x1xi32> to vector<16xi32>
    %gather3A_129 = tpu.dynamic_gather %select_n3A_123[%gather3A_128] in [0] : vector<16xf32>, vector<16xi32> -> vector<16xf32>
    %max3A_130 = arith.maximumf %select_n3A_123, %gather3A_129 : vector<16xf32>
    %xor3A_131 = arith.constant 4 : i32
    %xor3A_132 = vector.broadcast %xor3A_131 : i32 to vector<16xi32>
    %xor3A_133 = arith.xori %iota3A, %xor3A_132 : vector<16xi32>
    %broadcast_in_dim3A_134 = vector.shape_cast %xor3A_133 : vector<16xi32> to vector<16x1xi32>
    %gather3A_135 = vector.shape_cast %broadcast_in_dim3A_134 : vector<16x1xi32> to vector<16xi32>
    %gather3A_136 = tpu.dynamic_gather %max3A_130[%gather3A_135] in [0] : vector<16xf32>, vector<16xi32> -> vector<16xf32>
    %max3A_137 = arith.maximumf %max3A_130, %gather3A_136 : vector<16xf32>
    %xor3A_138 = arith.constant 2 : i32
    %xor3A_139 = vector.broadcast %xor3A_138 : i32 to vector<16xi32>
    %xor3A_140 = arith.xori %iota3A, %xor3A_139 : vector<16xi32>
    %broadcast_in_dim3A_141 = vector.shape_cast %xor3A_140 : vector<16xi32> to vector<16x1xi32>
    %gather3A_142 = vector.shape_cast %broadcast_in_dim3A_141 : vector<16x1xi32> to vector<16xi32>
    %gather3A_143 = tpu.dynamic_gather %max3A_137[%gather3A_142] in [0] : vector<16xf32>, vector<16xi32> -> vector<16xf32>
    %max3A_144 = arith.maximumf %max3A_137, %gather3A_143 : vector<16xf32>
    %xor3A_145 = arith.constant 1 : i32
    %xor3A_146 = vector.broadcast %xor3A_145 : i32 to vector<16xi32>
    %xor3A_147 = arith.xori %iota3A, %xor3A_146 : vector<16xi32>
    %broadcast_in_dim3A_148 = vector.shape_cast %xor3A_147 : vector<16xi32> to vector<16x1xi32>
    %gather3A_149 = vector.shape_cast %broadcast_in_dim3A_148 : vector<16x1xi32> to vector<16xi32>
    %gather3A_150 = tpu.dynamic_gather %max3A_144[%gather3A_149] in [0] : vector<16xf32>, vector<16xi32> -> vector<16xf32>
    %max3A_151 = arith.maximumf %max3A_144, %gather3A_150 : vector<16xf32>
    %eq3A_152 = arith.cmpf oeq, %select_n3A_123, %max3A_151 : vector<16xf32>
    %jit3A_153 = arith.constant 16 : i32
    %broadcast_in_dim3A_154 = vector.broadcast %jit3A_153 : i32 to vector<16xi32>
    %select_n3A_155 = arith.select %eq3A_152, %iota3A, %broadcast_in_dim3A_154 : vector<16xi1>, vector<16xi32>
    %xor3A_156 = arith.constant 8 : i32
    %xor3A_157 = vector.broadcast %xor3A_156 : i32 to vector<16xi32>
    %xor3A_158 = arith.xori %iota3A, %xor3A_157 : vector<16xi32>
    %broadcast_in_dim3A_159 = vector.shape_cast %xor3A_158 : vector<16xi32> to vector<16x1xi32>
    %gather3A_160 = vector.shape_cast %broadcast_in_dim3A_159 : vector<16x1xi32> to vector<16xi32>
    %gather3A_161 = tpu.dynamic_gather %select_n3A_155[%gather3A_160] in [0] : vector<16xi32>, vector<16xi32> -> vector<16xi32>
    %min3A_162 = arith.minsi %select_n3A_155, %gather3A_161 : vector<16xi32>
    %xor3A_163 = arith.constant 4 : i32
    %xor3A_164 = vector.broadcast %xor3A_163 : i32 to vector<16xi32>
    %xor3A_165 = arith.xori %iota3A, %xor3A_164 : vector<16xi32>
    %broadcast_in_dim3A_166 = vector.shape_cast %xor3A_165 : vector<16xi32> to vector<16x1xi32>
    %gather3A_167 = vector.shape_cast %broadcast_in_dim3A_166 : vector<16x1xi32> to vector<16xi32>
    %gather3A_168 = tpu.dynamic_gather %min3A_162[%gather3A_167] in [0] : vector<16xi32>, vector<16xi32> -> vector<16xi32>
    %min3A_169 = arith.minsi %min3A_162, %gather3A_168 : vector<16xi32>
    %xor3A_170 = arith.constant 2 : i32
    %xor3A_171 = vector.broadcast %xor3A_170 : i32 to vector<16xi32>
    %xor3A_172 = arith.xori %iota3A, %xor3A_171 : vector<16xi32>
    %broadcast_in_dim3A_173 = vector.shape_cast %xor3A_172 : vector<16xi32> to vector<16x1xi32>
    %gather3A_174 = vector.shape_cast %broadcast_in_dim3A_173 : vector<16x1xi32> to vector<16xi32>
    %gather3A_175 = tpu.dynamic_gather %min3A_169[%gather3A_174] in [0] : vector<16xi32>, vector<16xi32> -> vector<16xi32>
    %min3A_176 = arith.minsi %min3A_169, %gather3A_175 : vector<16xi32>
    %xor3A_177 = arith.constant 1 : i32
    %xor3A_178 = vector.broadcast %xor3A_177 : i32 to vector<16xi32>
    %xor3A_179 = arith.xori %iota3A, %xor3A_178 : vector<16xi32>
    %broadcast_in_dim3A_180 = vector.shape_cast %xor3A_179 : vector<16xi32> to vector<16x1xi32>
    %gather3A_181 = vector.shape_cast %broadcast_in_dim3A_180 : vector<16x1xi32> to vector<16xi32>
    %gather3A_182 = tpu.dynamic_gather %min3A_176[%gather3A_181] in [0] : vector<16xi32>, vector<16xi32> -> vector<16xi32>
    %min3A_183 = arith.minsi %min3A_176, %gather3A_182 : vector<16xi32>
    %eq3A_184 = arith.cmpi eq, %iota3A, %min3A_183 : vector<16xi32>
    %jit3A_185 = arith.constant 0.000000e+00 : f32
    %broadcast_in_dim3A_186 = vector.broadcast %jit3A_185 : f32 to vector<16xf32>
    %select_n3A_187 = arith.select %eq3A_120, %max3A_91, %broadcast_in_dim3A_186 : vector<16xi1>, vector<16xf32>
    %jit3A_188 = arith.constant 0.000000e+00 : f32
    %broadcast_in_dim3A_189 = vector.broadcast %jit3A_188 : f32 to vector<16xf32>
    %select_n3A_190 = arith.select %eq3A_184, %max3A_151, %broadcast_in_dim3A_189 : vector<16xi1>, vector<16xf32>
    %add3A_191 = arith.addf %select_n3A_187, %select_n3A_190 : vector<16xf32>
    %add3A_192 = arith.addf %max3A_91, %max3A_151 : vector<16xf32>
    %div3A_193 = arith.divf %add3A_191, %add3A_192 : vector<16xf32>
    %swap3A = arith.constant 0 : index
    %swap3A_194 = tpu.vector_load %arg7[%swap3A] {strides = array<i32>} : memref<32xf32, #tpu.memory_space<vmem>>, vector<16xf32>,
    %swap3A_195 = vector.shape_cast %swap3A_194 : vector<16xf32> to vector<16xf32>
    %swap3A_196 = vector.shape_cast %div3A_193 : vector<16xf32> to vector<16xf32>
    tpu.vector_store %arg7[%swap3A], %swap3A_196 {strides = array<i32>} : memref<32xf32, #tpu.memory_space<vmem>>, vector<16xf32>,
    %broadcast_in_dim3A_197 = arith.constant 0.000000e+00 : f32
    %broadcast_in_dim3A_198 = vector.broadcast %broadcast_in_dim3A_197 : f32 to vector<16xf32>
    %scan3A_199 = arith.constant 0 : i32
    %scan3A_200 = arith.constant 64 : i32
    %scan3A_201 = arith.addi %scan3A_199, %scan3A_200 : i32
    %scan3A_202 = arith.constant 1 : i32
    %scan3A_203 = scf.for %scan3A_405 = %scan3A_199 to %scan3A_201 step %scan3A_202 iter_args(%scan3A_406 = %broadcast_in_dim3A_198) -> (vector<16xf32>)  : i32 {
      %mul3A_407 = arith.constant 16 : i32
      %mul3A_408 = arith.muli %scan3A_405, %mul3A_407 : i32
      %add3A_409 = arith.constant 1024 : i32
      %add3A_410 = arith.addi %add3A_409, %mul3A_408 : i32
      %get3A = arith.index_cast %add3A_410 : i32 to index
      %get3A_411 = tpu.vector_load %arg5[%get3A] {strides = array<i32>} : memref<2048xf32, #tpu.memory_space<vmem>>, vector<16xf32>,
      %get3A_412 = vector.shape_cast %get3A_411 : vector<16xf32> to vector<16xf32>
      %slice3A = vector.extract_strided_slice %get3A_412 {offsets = [0], sizes = [1], strides = [1]} : vector<16xf32> to vector<1xf32>
      %squeeze3A = vector.extract %slice3A[0] : f32 from vector<1xf32>
      %mul3A_413 = arith.constant 16 : i32
      %mul3A_414 = arith.muli %scan3A_405, %mul3A_413 : i32
      %add3A_415 = arith.constant 0 : i32
      %add3A_416 = arith.addi %mul3A_414, %add3A_415 : i32
      %mul3A_417 = arith.constant 16 : i32
      %mul3A_418 = arith.muli %add3A_416, %mul3A_417 : i32
      %get3A_419 = arith.index_cast %mul3A_418 : i32 to index
      %get3A_420 = tpu.vector_load %arg6[%get3A_419] {strides = array<i32>} : memref<16384xf32, #tpu.memory_space<vmem>>, vector<16xf32>,
      %get3A_421 = vector.shape_cast %get3A_420 : vector<16xf32> to vector<16xf32>
      %mul3A_422 = vector.broadcast %squeeze3A : f32 to vector<16xf32>
      %mul3A_423 = arith.mulf %mul3A_422, %get3A_421 : vector<16xf32>
      %add3A_424 = arith.addf %scan3A_406, %mul3A_423 : vector<16xf32>
      %slice3A_425 = vector.extract_strided_slice %get3A_412 {offsets = [1], sizes = [1], strides = [1]} : vector<16xf32> to vector<1xf32>
      %squeeze3A_426 = vector.extract %slice3A_425[0] : f32 from vector<1xf32>
      %mul3A_427 = arith.constant 16 : i32
      %mul3A_428 = arith.muli %scan3A_405, %mul3A_427 : i32
      %add3A_429 = arith.constant 1 : i32
      %add3A_430 = arith.addi %mul3A_428, %add3A_429 : i32
      %mul3A_431 = arith.constant 16 : i32
      %mul3A_432 = arith.muli %add3A_430, %mul3A_431 : i32
      %get3A_433 = arith.index_cast %mul3A_432 : i32 to index
      %get3A_434 = tpu.vector_load %arg6[%get3A_433] {strides = array<i32>} : memref<16384xf32, #tpu.memory_space<vmem>>, vector<16xf32>,
      %get3A_435 = vector.shape_cast %get3A_434 : vector<16xf32> to vector<16xf32>
      %mul3A_436 = vector.broadcast %squeeze3A_426 : f32 to vector<16xf32>
      %mul3A_437 = arith.mulf %mul3A_436, %get3A_435 : vector<16xf32>
      %add3A_438 = arith.addf %add3A_424, %mul3A_437 : vector<16xf32>
      %slice3A_439 = vector.extract_strided_slice %get3A_412 {offsets = [2], sizes = [1], strides = [1]} : vector<16xf32> to vector<1xf32>
      %squeeze3A_440 = vector.extract %slice3A_439[0] : f32 from vector<1xf32>
      %mul3A_441 = arith.constant 16 : i32
      %mul3A_442 = arith.muli %scan3A_405, %mul3A_441 : i32
      %add3A_443 = arith.constant 2 : i32
      %add3A_444 = arith.addi %mul3A_442, %add3A_443 : i32
      %mul3A_445 = arith.constant 16 : i32
      %mul3A_446 = arith.muli %add3A_444, %mul3A_445 : i32
      %get3A_447 = arith.index_cast %mul3A_446 : i32 to index
      %get3A_448 = tpu.vector_load %arg6[%get3A_447] {strides = array<i32>} : memref<16384xf32, #tpu.memory_space<vmem>>, vector<16xf32>,
      %get3A_449 = vector.shape_cast %get3A_448 : vector<16xf32> to vector<16xf32>
      %mul3A_450 = vector.broadcast %squeeze3A_440 : f32 to vector<16xf32>
      %mul3A_451 = arith.mulf %mul3A_450, %get3A_449 : vector<16xf32>
      %add3A_452 = arith.addf %add3A_438, %mul3A_451 : vector<16xf32>
      %slice3A_453 = vector.extract_strided_slice %get3A_412 {offsets = [3], sizes = [1], strides = [1]} : vector<16xf32> to vector<1xf32>
      %squeeze3A_454 = vector.extract %slice3A_453[0] : f32 from vector<1xf32>
      %mul3A_455 = arith.constant 16 : i32
      %mul3A_456 = arith.muli %scan3A_405, %mul3A_455 : i32
      %add3A_457 = arith.constant 3 : i32
      %add3A_458 = arith.addi %mul3A_456, %add3A_457 : i32
      %mul3A_459 = arith.constant 16 : i32
      %mul3A_460 = arith.muli %add3A_458, %mul3A_459 : i32
      %get3A_461 = arith.index_cast %mul3A_460 : i32 to index
      %get3A_462 = tpu.vector_load %arg6[%get3A_461] {strides = array<i32>} : memref<16384xf32, #tpu.memory_space<vmem>>, vector<16xf32>,
      %get3A_463 = vector.shape_cast %get3A_462 : vector<16xf32> to vector<16xf32>
      %mul3A_464 = vector.broadcast %squeeze3A_454 : f32 to vector<16xf32>
      %mul3A_465 = arith.mulf %mul3A_464, %get3A_463 : vector<16xf32>
      %add3A_466 = arith.addf %add3A_452, %mul3A_465 : vector<16xf32>
      %slice3A_467 = vector.extract_strided_slice %get3A_412 {offsets = [4], sizes = [1], strides = [1]} : vector<16xf32> to vector<1xf32>
      %squeeze3A_468 = vector.extract %slice3A_467[0] : f32 from vector<1xf32>
      %mul3A_469 = arith.constant 16 : i32
      %mul3A_470 = arith.muli %scan3A_405, %mul3A_469 : i32
      %add3A_471 = arith.constant 4 : i32
      %add3A_472 = arith.addi %mul3A_470, %add3A_471 : i32
      %mul3A_473 = arith.constant 16 : i32
      %mul3A_474 = arith.muli %add3A_472, %mul3A_473 : i32
      %get3A_475 = arith.index_cast %mul3A_474 : i32 to index
      %get3A_476 = tpu.vector_load %arg6[%get3A_475] {strides = array<i32>} : memref<16384xf32, #tpu.memory_space<vmem>>, vector<16xf32>,
      %get3A_477 = vector.shape_cast %get3A_476 : vector<16xf32> to vector<16xf32>
      %mul3A_478 = vector.broadcast %squeeze3A_468 : f32 to vector<16xf32>
      %mul3A_479 = arith.mulf %mul3A_478, %get3A_477 : vector<16xf32>
      %add3A_480 = arith.addf %add3A_466, %mul3A_479 : vector<16xf32>
      %slice3A_481 = vector.extract_strided_slice %get3A_412 {offsets = [5], sizes = [1], strides = [1]} : vector<16xf32> to vector<1xf32>
      %squeeze3A_482 = vector.extract %slice3A_481[0] : f32 from vector<1xf32>
      %mul3A_483 = arith.constant 16 : i32
      %mul3A_484 = arith.muli %scan3A_405, %mul3A_483 : i32
      %add3A_485 = arith.constant 5 : i32
      %add3A_486 = arith.addi %mul3A_484, %add3A_485 : i32
      %mul3A_487 = arith.constant 16 : i32
      %mul3A_488 = arith.muli %add3A_486, %mul3A_487 : i32
      %get3A_489 = arith.index_cast %mul3A_488 : i32 to index
      %get3A_490 = tpu.vector_load %arg6[%get3A_489] {strides = array<i32>} : memref<16384xf32, #tpu.memory_space<vmem>>, vector<16xf32>,
      %get3A_491 = vector.shape_cast %get3A_490 : vector<16xf32> to vector<16xf32>
      %mul3A_492 = vector.broadcast %squeeze3A_482 : f32 to vector<16xf32>
      %mul3A_493 = arith.mulf %mul3A_492, %get3A_491 : vector<16xf32>
      %add3A_494 = arith.addf %add3A_480, %mul3A_493 : vector<16xf32>
      %slice3A_495 = vector.extract_strided_slice %get3A_412 {offsets = [6], sizes = [1], strides = [1]} : vector<16xf32> to vector<1xf32>
      %squeeze3A_496 = vector.extract %slice3A_495[0] : f32 from vector<1xf32>
      %mul3A_497 = arith.constant 16 : i32
      %mul3A_498 = arith.muli %scan3A_405, %mul3A_497 : i32
      %add3A_499 = arith.constant 6 : i32
      %add3A_500 = arith.addi %mul3A_498, %add3A_499 : i32
      %mul3A_501 = arith.constant 16 : i32
      %mul3A_502 = arith.muli %add3A_500, %mul3A_501 : i32
      %get3A_503 = arith.index_cast %mul3A_502 : i32 to index
      %get3A_504 = tpu.vector_load %arg6[%get3A_503] {strides = array<i32>} : memref<16384xf32, #tpu.memory_space<vmem>>, vector<16xf32>,
      %get3A_505 = vector.shape_cast %get3A_504 : vector<16xf32> to vector<16xf32>
      %mul3A_506 = vector.broadcast %squeeze3A_496 : f32 to vector<16xf32>
      %mul3A_507 = arith.mulf %mul3A_506, %get3A_505 : vector<16xf32>
      %add3A_508 = arith.addf %add3A_494, %mul3A_507 : vector<16xf32>
      %slice3A_509 = vector.extract_strided_slice %get3A_412 {offsets = [7], sizes = [1], strides = [1]} : vector<16xf32> to vector<1xf32>
      %squeeze3A_510 = vector.extract %slice3A_509[0] : f32 from vector<1xf32>
      %mul3A_511 = arith.constant 16 : i32
      %mul3A_512 = arith.muli %scan3A_405, %mul3A_511 : i32
      %add3A_513 = arith.constant 7 : i32
      %add3A_514 = arith.addi %mul3A_512, %add3A_513 : i32
      %mul3A_515 = arith.constant 16 : i32
      %mul3A_516 = arith.muli %add3A_514, %mul3A_515 : i32
      %get3A_517 = arith.index_cast %mul3A_516 : i32 to index
      %get3A_518 = tpu.vector_load %arg6[%get3A_517] {strides = array<i32>} : memref<16384xf32, #tpu.memory_space<vmem>>, vector<16xf32>,
      %get3A_519 = vector.shape_cast %get3A_518 : vector<16xf32> to vector<16xf32>
      %mul3A_520 = vector.broadcast %squeeze3A_510 : f32 to vector<16xf32>
      %mul3A_521 = arith.mulf %mul3A_520, %get3A_519 : vector<16xf32>
      %add3A_522 = arith.addf %add3A_508, %mul3A_521 : vector<16xf32>
      %slice3A_523 = vector.extract_strided_slice %get3A_412 {offsets = [8], sizes = [1], strides = [1]} : vector<16xf32> to vector<1xf32>
      %squeeze3A_524 = vector.extract %slice3A_523[0] : f32 from vector<1xf32>
      %mul3A_525 = arith.constant 16 : i32
      %mul3A_526 = arith.muli %scan3A_405, %mul3A_525 : i32
      %add3A_527 = arith.constant 8 : i32
      %add3A_528 = arith.addi %mul3A_526, %add3A_527 : i32
      %mul3A_529 = arith.constant 16 : i32
      %mul3A_530 = arith.muli %add3A_528, %mul3A_529 : i32
      %get3A_531 = arith.index_cast %mul3A_530 : i32 to index
      %get3A_532 = tpu.vector_load %arg6[%get3A_531] {strides = array<i32>} : memref<16384xf32, #tpu.memory_space<vmem>>, vector<16xf32>,
      %get3A_533 = vector.shape_cast %get3A_532 : vector<16xf32> to vector<16xf32>
      %mul3A_534 = vector.broadcast %squeeze3A_524 : f32 to vector<16xf32>
      %mul3A_535 = arith.mulf %mul3A_534, %get3A_533 : vector<16xf32>
      %add3A_536 = arith.addf %add3A_522, %mul3A_535 : vector<16xf32>
      %slice3A_537 = vector.extract_strided_slice %get3A_412 {offsets = [9], sizes = [1], strides = [1]} : vector<16xf32> to vector<1xf32>
      %squeeze3A_538 = vector.extract %slice3A_537[0] : f32 from vector<1xf32>
      %mul3A_539 = arith.constant 16 : i32
      %mul3A_540 = arith.muli %scan3A_405, %mul3A_539 : i32
      %add3A_541 = arith.constant 9 : i32
      %add3A_542 = arith.addi %mul3A_540, %add3A_541 : i32
      %mul3A_543 = arith.constant 16 : i32
      %mul3A_544 = arith.muli %add3A_542, %mul3A_543 : i32
      %get3A_545 = arith.index_cast %mul3A_544 : i32 to index
      %get3A_546 = tpu.vector_load %arg6[%get3A_545] {strides = array<i32>} : memref<16384xf32, #tpu.memory_space<vmem>>, vector<16xf32>,
      %get3A_547 = vector.shape_cast %get3A_546 : vector<16xf32> to vector<16xf32>
      %mul3A_548 = vector.broadcast %squeeze3A_538 : f32 to vector<16xf32>
      %mul3A_549 = arith.mulf %mul3A_548, %get3A_547 : vector<16xf32>
      %add3A_550 = arith.addf %add3A_536, %mul3A_549 : vector<16xf32>
      %slice3A_551 = vector.extract_strided_slice %get3A_412 {offsets = [10], sizes = [1], strides = [1]} : vector<16xf32> to vector<1xf32>
      %squeeze3A_552 = vector.extract %slice3A_551[0] : f32 from vector<1xf32>
      %mul3A_553 = arith.constant 16 : i32
      %mul3A_554 = arith.muli %scan3A_405, %mul3A_553 : i32
      %add3A_555 = arith.constant 10 : i32
      %add3A_556 = arith.addi %mul3A_554, %add3A_555 : i32
      %mul3A_557 = arith.constant 16 : i32
      %mul3A_558 = arith.muli %add3A_556, %mul3A_557 : i32
      %get3A_559 = arith.index_cast %mul3A_558 : i32 to index
      %get3A_560 = tpu.vector_load %arg6[%get3A_559] {strides = array<i32>} : memref<16384xf32, #tpu.memory_space<vmem>>, vector<16xf32>,
      %get3A_561 = vector.shape_cast %get3A_560 : vector<16xf32> to vector<16xf32>
      %mul3A_562 = vector.broadcast %squeeze3A_552 : f32 to vector<16xf32>
      %mul3A_563 = arith.mulf %mul3A_562, %get3A_561 : vector<16xf32>
      %add3A_564 = arith.addf %add3A_550, %mul3A_563 : vector<16xf32>
      %slice3A_565 = vector.extract_strided_slice %get3A_412 {offsets = [11], sizes = [1], strides = [1]} : vector<16xf32> to vector<1xf32>
      %squeeze3A_566 = vector.extract %slice3A_565[0] : f32 from vector<1xf32>
      %mul3A_567 = arith.constant 16 : i32
      %mul3A_568 = arith.muli %scan3A_405, %mul3A_567 : i32
      %add3A_569 = arith.constant 11 : i32
      %add3A_570 = arith.addi %mul3A_568, %add3A_569 : i32
      %mul3A_571 = arith.constant 16 : i32
      %mul3A_572 = arith.muli %add3A_570, %mul3A_571 : i32
      %get3A_573 = arith.index_cast %mul3A_572 : i32 to index
      %get3A_574 = tpu.vector_load %arg6[%get3A_573] {strides = array<i32>} : memref<16384xf32, #tpu.memory_space<vmem>>, vector<16xf32>,
      %get3A_575 = vector.shape_cast %get3A_574 : vector<16xf32> to vector<16xf32>
      %mul3A_576 = vector.broadcast %squeeze3A_566 : f32 to vector<16xf32>
      %mul3A_577 = arith.mulf %mul3A_576, %get3A_575 : vector<16xf32>
      %add3A_578 = arith.addf %add3A_564, %mul3A_577 : vector<16xf32>
      %slice3A_579 = vector.extract_strided_slice %get3A_412 {offsets = [12], sizes = [1], strides = [1]} : vector<16xf32> to vector<1xf32>
      %squeeze3A_580 = vector.extract %slice3A_579[0] : f32 from vector<1xf32>
      %mul3A_581 = arith.constant 16 : i32
      %mul3A_582 = arith.muli %scan3A_405, %mul3A_581 : i32
      %add3A_583 = arith.constant 12 : i32
      %add3A_584 = arith.addi %mul3A_582, %add3A_583 : i32
      %mul3A_585 = arith.constant 16 : i32
      %mul3A_586 = arith.muli %add3A_584, %mul3A_585 : i32
      %get3A_587 = arith.index_cast %mul3A_586 : i32 to index
      %get3A_588 = tpu.vector_load %arg6[%get3A_587] {strides = array<i32>} : memref<16384xf32, #tpu.memory_space<vmem>>, vector<16xf32>,
      %get3A_589 = vector.shape_cast %get3A_588 : vector<16xf32> to vector<16xf32>
      %mul3A_590 = vector.broadcast %squeeze3A_580 : f32 to vector<16xf32>
      %mul3A_591 = arith.mulf %mul3A_590, %get3A_589 : vector<16xf32>
      %add3A_592 = arith.addf %add3A_578, %mul3A_591 : vector<16xf32>
      %slice3A_593 = vector.extract_strided_slice %get3A_412 {offsets = [13], sizes = [1], strides = [1]} : vector<16xf32> to vector<1xf32>
      %squeeze3A_594 = vector.extract %slice3A_593[0] : f32 from vector<1xf32>
      %mul3A_595 = arith.constant 16 : i32
      %mul3A_596 = arith.muli %scan3A_405, %mul3A_595 : i32
      %add3A_597 = arith.constant 13 : i32
      %add3A_598 = arith.addi %mul3A_596, %add3A_597 : i32
      %mul3A_599 = arith.constant 16 : i32
      %mul3A_600 = arith.muli %add3A_598, %mul3A_599 : i32
      %get3A_601 = arith.index_cast %mul3A_600 : i32 to index
      %get3A_602 = tpu.vector_load %arg6[%get3A_601] {strides = array<i32>} : memref<16384xf32, #tpu.memory_space<vmem>>, vector<16xf32>,
      %get3A_603 = vector.shape_cast %get3A_602 : vector<16xf32> to vector<16xf32>
      %mul3A_604 = vector.broadcast %squeeze3A_594 : f32 to vector<16xf32>
      %mul3A_605 = arith.mulf %mul3A_604, %get3A_603 : vector<16xf32>
      %add3A_606 = arith.addf %add3A_592, %mul3A_605 : vector<16xf32>
      %slice3A_607 = vector.extract_strided_slice %get3A_412 {offsets = [14], sizes = [1], strides = [1]} : vector<16xf32> to vector<1xf32>
      %squeeze3A_608 = vector.extract %slice3A_607[0] : f32 from vector<1xf32>
      %mul3A_609 = arith.constant 16 : i32
      %mul3A_610 = arith.muli %scan3A_405, %mul3A_609 : i32
      %add3A_611 = arith.constant 14 : i32
      %add3A_612 = arith.addi %mul3A_610, %add3A_611 : i32
      %mul3A_613 = arith.constant 16 : i32
      %mul3A_614 = arith.muli %add3A_612, %mul3A_613 : i32
      %get3A_615 = arith.index_cast %mul3A_614 : i32 to index
      %get3A_616 = tpu.vector_load %arg6[%get3A_615] {strides = array<i32>} : memref<16384xf32, #tpu.memory_space<vmem>>, vector<16xf32>,
      %get3A_617 = vector.shape_cast %get3A_616 : vector<16xf32> to vector<16xf32>
      %mul3A_618 = vector.broadcast %squeeze3A_608 : f32 to vector<16xf32>
      %mul3A_619 = arith.mulf %mul3A_618, %get3A_617 : vector<16xf32>
      %add3A_620 = arith.addf %add3A_606, %mul3A_619 : vector<16xf32>
      %slice3A_621 = vector.extract_strided_slice %get3A_412 {offsets = [15], sizes = [1], strides = [1]} : vector<16xf32> to vector<1xf32>
      %squeeze3A_622 = vector.extract %slice3A_621[0] : f32 from vector<1xf32>
      %mul3A_623 = arith.constant 16 : i32
      %mul3A_624 = arith.muli %scan3A_405, %mul3A_623 : i32
      %add3A_625 = arith.constant 15 : i32
      %add3A_626 = arith.addi %mul3A_624, %add3A_625 : i32
      %mul3A_627 = arith.constant 16 : i32
      %mul3A_628 = arith.muli %add3A_626, %mul3A_627 : i32
      %get3A_629 = arith.index_cast %mul3A_628 : i32 to index
      %get3A_630 = tpu.vector_load %arg6[%get3A_629] {strides = array<i32>} : memref<16384xf32, #tpu.memory_space<vmem>>, vector<16xf32>,
      %get3A_631 = vector.shape_cast %get3A_630 : vector<16xf32> to vector<16xf32>
      %mul3A_632 = vector.broadcast %squeeze3A_622 : f32 to vector<16xf32>
      %mul3A_633 = arith.mulf %mul3A_632, %get3A_631 : vector<16xf32>
      %add3A_634 = arith.addf %add3A_620, %mul3A_633 : vector<16xf32>
      scf.yield %add3A_634 : vector<16xf32>
    }
    %scan3A_204 = arith.constant 64 : i32
    %iota3A_205 = tpu.iota {dimensions = array<i32: 0>} : vector<16xi32>
    %xor3A_206 = arith.constant 8 : i32
    %xor3A_207 = vector.broadcast %xor3A_206 : i32 to vector<16xi32>
    %xor3A_208 = arith.xori %iota3A_205, %xor3A_207 : vector<16xi32>
    %broadcast_in_dim3A_209 = vector.shape_cast %xor3A_208 : vector<16xi32> to vector<16x1xi32>
    %gather3A_210 = vector.shape_cast %broadcast_in_dim3A_209 : vector<16x1xi32> to vector<16xi32>
    %gather3A_211 = tpu.dynamic_gather %scan3A_203[%gather3A_210] in [0] : vector<16xf32>, vector<16xi32> -> vector<16xf32>
    %max3A_212 = arith.maximumf %scan3A_203, %gather3A_211 : vector<16xf32>
    %xor3A_213 = arith.constant 4 : i32
    %xor3A_214 = vector.broadcast %xor3A_213 : i32 to vector<16xi32>
    %xor3A_215 = arith.xori %iota3A_205, %xor3A_214 : vector<16xi32>
    %broadcast_in_dim3A_216 = vector.shape_cast %xor3A_215 : vector<16xi32> to vector<16x1xi32>
    %gather3A_217 = vector.shape_cast %broadcast_in_dim3A_216 : vector<16x1xi32> to vector<16xi32>
    %gather3A_218 = tpu.dynamic_gather %max3A_212[%gather3A_217] in [0] : vector<16xf32>, vector<16xi32> -> vector<16xf32>
    %max3A_219 = arith.maximumf %max3A_212, %gather3A_218 : vector<16xf32>
    %xor3A_220 = arith.constant 2 : i32
    %xor3A_221 = vector.broadcast %xor3A_220 : i32 to vector<16xi32>
    %xor3A_222 = arith.xori %iota3A_205, %xor3A_221 : vector<16xi32>
    %broadcast_in_dim3A_223 = vector.shape_cast %xor3A_222 : vector<16xi32> to vector<16x1xi32>
    %gather3A_224 = vector.shape_cast %broadcast_in_dim3A_223 : vector<16x1xi32> to vector<16xi32>
    %gather3A_225 = tpu.dynamic_gather %max3A_219[%gather3A_224] in [0] : vector<16xf32>, vector<16xi32> -> vector<16xf32>
    %max3A_226 = arith.maximumf %max3A_219, %gather3A_225 : vector<16xf32>
    %xor3A_227 = arith.constant 1 : i32
    %xor3A_228 = vector.broadcast %xor3A_227 : i32 to vector<16xi32>
    %xor3A_229 = arith.xori %iota3A_205, %xor3A_228 : vector<16xi32>
    %broadcast_in_dim3A_230 = vector.shape_cast %xor3A_229 : vector<16xi32> to vector<16x1xi32>
    %gather3A_231 = vector.shape_cast %broadcast_in_dim3A_230 : vector<16x1xi32> to vector<16xi32>
    %gather3A_232 = tpu.dynamic_gather %max3A_226[%gather3A_231] in [0] : vector<16xf32>, vector<16xi32> -> vector<16xf32>
    %max3A_233 = arith.maximumf %max3A_226, %gather3A_232 : vector<16xf32>
    %sub3A_234 = arith.subf %scan3A_203, %max3A_233 : vector<16xf32>
    %exp3A_235 = math.exp %sub3A_234 : vector<16xf32>
    %xor3A_236 = arith.constant 8 : i32
    %xor3A_237 = vector.broadcast %xor3A_236 : i32 to vector<16xi32>
    %xor3A_238 = arith.xori %iota3A_205, %xor3A_237 : vector<16xi32>
    %broadcast_in_dim3A_239 = vector.shape_cast %xor3A_238 : vector<16xi32> to vector<16x1xi32>
    %gather3A_240 = vector.shape_cast %broadcast_in_dim3A_239 : vector<16x1xi32> to vector<16xi32>
    %gather3A_241 = tpu.dynamic_gather %exp3A_235[%gather3A_240] in [0] : vector<16xf32>, vector<16xi32> -> vector<16xf32>
    %add3A_242 = arith.addf %exp3A_235, %gather3A_241 : vector<16xf32>
    %xor3A_243 = arith.constant 4 : i32
    %xor3A_244 = vector.broadcast %xor3A_243 : i32 to vector<16xi32>
    %xor3A_245 = arith.xori %iota3A_205, %xor3A_244 : vector<16xi32>
    %broadcast_in_dim3A_246 = vector.shape_cast %xor3A_245 : vector<16xi32> to vector<16x1xi32>
    %gather3A_247 = vector.shape_cast %broadcast_in_dim3A_246 : vector<16x1xi32> to vector<16xi32>
    %gather3A_248 = tpu.dynamic_gather %add3A_242[%gather3A_247] in [0] : vector<16xf32>, vector<16xi32> -> vector<16xf32>
    %add3A_249 = arith.addf %add3A_242, %gather3A_248 : vector<16xf32>
    %xor3A_250 = arith.constant 2 : i32
    %xor3A_251 = vector.broadcast %xor3A_250 : i32 to vector<16xi32>
    %xor3A_252 = arith.xori %iota3A_205, %xor3A_251 : vector<16xi32>
    %broadcast_in_dim3A_253 = vector.shape_cast %xor3A_252 : vector<16xi32> to vector<16x1xi32>
    %gather3A_254 = vector.shape_cast %broadcast_in_dim3A_253 : vector<16x1xi32> to vector<16xi32>
    %gather3A_255 = tpu.dynamic_gather %add3A_249[%gather3A_254] in [0] : vector<16xf32>, vector<16xi32> -> vector<16xf32>
    %add3A_256 = arith.addf %add3A_249, %gather3A_255 : vector<16xf32>
    %xor3A_257 = arith.constant 1 : i32
    %xor3A_258 = vector.broadcast %xor3A_257 : i32 to vector<16xi32>
    %xor3A_259 = arith.xori %iota3A_205, %xor3A_258 : vector<16xi32>
    %broadcast_in_dim3A_260 = vector.shape_cast %xor3A_259 : vector<16xi32> to vector<16x1xi32>
    %gather3A_261 = vector.shape_cast %broadcast_in_dim3A_260 : vector<16x1xi32> to vector<16xi32>
    %gather3A_262 = tpu.dynamic_gather %add3A_256[%gather3A_261] in [0] : vector<16xf32>, vector<16xi32> -> vector<16xf32>
    %add3A_263 = arith.addf %add3A_256, %gather3A_262 : vector<16xf32>
    %div3A_264 = arith.divf %exp3A_235, %add3A_263 : vector<16xf32>
    %xor3A_265 = arith.constant 8 : i32
    %xor3A_266 = vector.broadcast %xor3A_265 : i32 to vector<16xi32>
    %xor3A_267 = arith.xori %iota3A_205, %xor3A_266 : vector<16xi32>
    %broadcast_in_dim3A_268 = vector.shape_cast %xor3A_267 : vector<16xi32> to vector<16x1xi32>
    %gather3A_269 = vector.shape_cast %broadcast_in_dim3A_268 : vector<16x1xi32> to vector<16xi32>
    %gather3A_270 = tpu.dynamic_gather %div3A_264[%gather3A_269] in [0] : vector<16xf32>, vector<16xi32> -> vector<16xf32>
    %max3A_271 = arith.maximumf %div3A_264, %gather3A_270 : vector<16xf32>
    %xor3A_272 = arith.constant 4 : i32
    %xor3A_273 = vector.broadcast %xor3A_272 : i32 to vector<16xi32>
    %xor3A_274 = arith.xori %iota3A_205, %xor3A_273 : vector<16xi32>
    %broadcast_in_dim3A_275 = vector.shape_cast %xor3A_274 : vector<16xi32> to vector<16x1xi32>
    %gather3A_276 = vector.shape_cast %broadcast_in_dim3A_275 : vector<16x1xi32> to vector<16xi32>
    %gather3A_277 = tpu.dynamic_gather %max3A_271[%gather3A_276] in [0] : vector<16xf32>, vector<16xi32> -> vector<16xf32>
    %max3A_278 = arith.maximumf %max3A_271, %gather3A_277 : vector<16xf32>
    %xor3A_279 = arith.constant 2 : i32
    %xor3A_280 = vector.broadcast %xor3A_279 : i32 to vector<16xi32>
    %xor3A_281 = arith.xori %iota3A_205, %xor3A_280 : vector<16xi32>
    %broadcast_in_dim3A_282 = vector.shape_cast %xor3A_281 : vector<16xi32> to vector<16x1xi32>
    %gather3A_283 = vector.shape_cast %broadcast_in_dim3A_282 : vector<16x1xi32> to vector<16xi32>
    %gather3A_284 = tpu.dynamic_gather %max3A_278[%gather3A_283] in [0] : vector<16xf32>, vector<16xi32> -> vector<16xf32>
    %max3A_285 = arith.maximumf %max3A_278, %gather3A_284 : vector<16xf32>
    %xor3A_286 = arith.constant 1 : i32
    %xor3A_287 = vector.broadcast %xor3A_286 : i32 to vector<16xi32>
    %xor3A_288 = arith.xori %iota3A_205, %xor3A_287 : vector<16xi32>
    %broadcast_in_dim3A_289 = vector.shape_cast %xor3A_288 : vector<16xi32> to vector<16x1xi32>
    %gather3A_290 = vector.shape_cast %broadcast_in_dim3A_289 : vector<16x1xi32> to vector<16xi32>
    %gather3A_291 = tpu.dynamic_gather %max3A_285[%gather3A_290] in [0] : vector<16xf32>, vector<16xi32> -> vector<16xf32>
    %max3A_292 = arith.maximumf %max3A_285, %gather3A_291 : vector<16xf32>
    %eq3A_293 = arith.cmpf oeq, %div3A_264, %max3A_292 : vector<16xf32>
    %jit3A_294 = arith.constant 16 : i32
    %broadcast_in_dim3A_295 = vector.broadcast %jit3A_294 : i32 to vector<16xi32>
    %select_n3A_296 = arith.select %eq3A_293, %iota3A_205, %broadcast_in_dim3A_295 : vector<16xi1>, vector<16xi32>
    %xor3A_297 = arith.constant 8 : i32
    %xor3A_298 = vector.broadcast %xor3A_297 : i32 to vector<16xi32>
    %xor3A_299 = arith.xori %iota3A_205, %xor3A_298 : vector<16xi32>
    %broadcast_in_dim3A_300 = vector.shape_cast %xor3A_299 : vector<16xi32> to vector<16x1xi32>
    %gather3A_301 = vector.shape_cast %broadcast_in_dim3A_300 : vector<16x1xi32> to vector<16xi32>
    %gather3A_302 = tpu.dynamic_gather %select_n3A_296[%gather3A_301] in [0] : vector<16xi32>, vector<16xi32> -> vector<16xi32>
    %min3A_303 = arith.minsi %select_n3A_296, %gather3A_302 : vector<16xi32>
    %xor3A_304 = arith.constant 4 : i32
    %xor3A_305 = vector.broadcast %xor3A_304 : i32 to vector<16xi32>
    %xor3A_306 = arith.xori %iota3A_205, %xor3A_305 : vector<16xi32>
    %broadcast_in_dim3A_307 = vector.shape_cast %xor3A_306 : vector<16xi32> to vector<16x1xi32>
    %gather3A_308 = vector.shape_cast %broadcast_in_dim3A_307 : vector<16x1xi32> to vector<16xi32>
    %gather3A_309 = tpu.dynamic_gather %min3A_303[%gather3A_308] in [0] : vector<16xi32>, vector<16xi32> -> vector<16xi32>
    %min3A_310 = arith.minsi %min3A_303, %gather3A_309 : vector<16xi32>
    %xor3A_311 = arith.constant 2 : i32
    %xor3A_312 = vector.broadcast %xor3A_311 : i32 to vector<16xi32>
    %xor3A_313 = arith.xori %iota3A_205, %xor3A_312 : vector<16xi32>
    %broadcast_in_dim3A_314 = vector.shape_cast %xor3A_313 : vector<16xi32> to vector<16x1xi32>
    %gather3A_315 = vector.shape_cast %broadcast_in_dim3A_314 : vector<16x1xi32> to vector<16xi32>
    %gather3A_316 = tpu.dynamic_gather %min3A_310[%gather3A_315] in [0] : vector<16xi32>, vector<16xi32> -> vector<16xi32>
    %min3A_317 = arith.minsi %min3A_310, %gather3A_316 : vector<16xi32>
    %xor3A_318 = arith.constant 1 : i32
    %xor3A_319 = vector.broadcast %xor3A_318 : i32 to vector<16xi32>
    %xor3A_320 = arith.xori %iota3A_205, %xor3A_319 : vector<16xi32>
    %broadcast_in_dim3A_321 = vector.shape_cast %xor3A_320 : vector<16xi32> to vector<16x1xi32>
    %gather3A_322 = vector.shape_cast %broadcast_in_dim3A_321 : vector<16x1xi32> to vector<16xi32>
    %gather3A_323 = tpu.dynamic_gather %min3A_317[%gather3A_322] in [0] : vector<16xi32>, vector<16xi32> -> vector<16xi32>
    %min3A_324 = arith.minsi %min3A_317, %gather3A_323 : vector<16xi32>
    %eq3A_325 = arith.cmpi eq, %iota3A_205, %min3A_324 : vector<16xi32>
    %jit3A_326 = arith.constant -1.000000e+00 : f32
    %broadcast_in_dim3A_327 = vector.broadcast %jit3A_326 : f32 to vector<16xf32>
    %select_n3A_328 = arith.select %eq3A_325, %broadcast_in_dim3A_327, %div3A_264 : vector<16xi1>, vector<16xf32>
    %xor3A_329 = arith.constant 8 : i32
    %xor3A_330 = vector.broadcast %xor3A_329 : i32 to vector<16xi32>
    %xor3A_331 = arith.xori %iota3A_205, %xor3A_330 : vector<16xi32>
    %broadcast_in_dim3A_332 = vector.shape_cast %xor3A_331 : vector<16xi32> to vector<16x1xi32>
    %gather3A_333 = vector.shape_cast %broadcast_in_dim3A_332 : vector<16x1xi32> to vector<16xi32>
    %gather3A_334 = tpu.dynamic_gather %select_n3A_328[%gather3A_333] in [0] : vector<16xf32>, vector<16xi32> -> vector<16xf32>
    %max3A_335 = arith.maximumf %select_n3A_328, %gather3A_334 : vector<16xf32>
    %xor3A_336 = arith.constant 4 : i32
    %xor3A_337 = vector.broadcast %xor3A_336 : i32 to vector<16xi32>
    %xor3A_338 = arith.xori %iota3A_205, %xor3A_337 : vector<16xi32>
    %broadcast_in_dim3A_339 = vector.shape_cast %xor3A_338 : vector<16xi32> to vector<16x1xi32>
    %gather3A_340 = vector.shape_cast %broadcast_in_dim3A_339 : vector<16x1xi32> to vector<16xi32>
    %gather3A_341 = tpu.dynamic_gather %max3A_335[%gather3A_340] in [0] : vector<16xf32>, vector<16xi32> -> vector<16xf32>
    %max3A_342 = arith.maximumf %max3A_335, %gather3A_341 : vector<16xf32>
    %xor3A_343 = arith.constant 2 : i32
    %xor3A_344 = vector.broadcast %xor3A_343 : i32 to vector<16xi32>
    %xor3A_345 = arith.xori %iota3A_205, %xor3A_344 : vector<16xi32>
    %broadcast_in_dim3A_346 = vector.shape_cast %xor3A_345 : vector<16xi32> to vector<16x1xi32>
    %gather3A_347 = vector.shape_cast %broadcast_in_dim3A_346 : vector<16x1xi32> to vector<16xi32>
    %gather3A_348 = tpu.dynamic_gather %max3A_342[%gather3A_347] in [0] : vector<16xf32>, vector<16xi32> -> vector<16xf32>
    %max3A_349 = arith.maximumf %max3A_342, %gather3A_348 : vector<16xf32>
    %xor3A_350 = arith.constant 1 : i32
    %xor3A_351 = vector.broadcast %xor3A_350 : i32 to vector<16xi32>
    %xor3A_352 = arith.xori %iota3A_205, %xor3A_351 : vector<16xi32>
    %broadcast_in_dim3A_353 = vector.shape_cast %xor3A_352 : vector<16xi32> to vector<16x1xi32>
    %gather3A_354 = vector.shape_cast %broadcast_in_dim3A_353 : vector<16x1xi32> to vector<16xi32>
    %gather3A_355 = tpu.dynamic_gather %max3A_349[%gather3A_354] in [0] : vector<16xf32>, vector<16xi32> -> vector<16xf32>
    %max3A_356 = arith.maximumf %max3A_349, %gather3A_355 : vector<16xf32>
    %eq3A_357 = arith.cmpf oeq, %select_n3A_328, %max3A_356 : vector<16xf32>
    %jit3A_358 = arith.constant 16 : i32
    %broadcast_in_dim3A_359 = vector.broadcast %jit3A_358 : i32 to vector<16xi32>
    %select_n3A_360 = arith.select %eq3A_357, %iota3A_205, %broadcast_in_dim3A_359 : vector<16xi1>, vector<16xi32>
    %xor3A_361 = arith.constant 8 : i32
    %xor3A_362 = vector.broadcast %xor3A_361 : i32 to vector<16xi32>
    %xor3A_363 = arith.xori %iota3A_205, %xor3A_362 : vector<16xi32>
    %broadcast_in_dim3A_364 = vector.shape_cast %xor3A_363 : vector<16xi32> to vector<16x1xi32>
    %gather3A_365 = vector.shape_cast %broadcast_in_dim3A_364 : vector<16x1xi32> to vector<16xi32>
    %gather3A_366 = tpu.dynamic_gather %select_n3A_360[%gather3A_365] in [0] : vector<16xi32>, vector<16xi32> -> vector<16xi32>
    %min3A_367 = arith.minsi %select_n3A_360, %gather3A_366 : vector<16xi32>
    %xor3A_368 = arith.constant 4 : i32
    %xor3A_369 = vector.broadcast %xor3A_368 : i32 to vector<16xi32>
    %xor3A_370 = arith.xori %iota3A_205, %xor3A_369 : vector<16xi32>
    %broadcast_in_dim3A_371 = vector.shape_cast %xor3A_370 : vector<16xi32> to vector<16x1xi32>
    %gather3A_372 = vector.shape_cast %broadcast_in_dim3A_371 : vector<16x1xi32> to vector<16xi32>
    %gather3A_373 = tpu.dynamic_gather %min3A_367[%gather3A_372] in [0] : vector<16xi32>, vector<16xi32> -> vector<16xi32>
    %min3A_374 = arith.minsi %min3A_367, %gather3A_373 : vector<16xi32>
    %xor3A_375 = arith.constant 2 : i32
    %xor3A_376 = vector.broadcast %xor3A_375 : i32 to vector<16xi32>
    %xor3A_377 = arith.xori %iota3A_205, %xor3A_376 : vector<16xi32>
    %broadcast_in_dim3A_378 = vector.shape_cast %xor3A_377 : vector<16xi32> to vector<16x1xi32>
    %gather3A_379 = vector.shape_cast %broadcast_in_dim3A_378 : vector<16x1xi32> to vector<16xi32>
    %gather3A_380 = tpu.dynamic_gather %min3A_374[%gather3A_379] in [0] : vector<16xi32>, vector<16xi32> -> vector<16xi32>
    %min3A_381 = arith.minsi %min3A_374, %gather3A_380 : vector<16xi32>
    %xor3A_382 = arith.constant 1 : i32
    %xor3A_383 = vector.broadcast %xor3A_382 : i32 to vector<16xi32>
    %xor3A_384 = arith.xori %iota3A_205, %xor3A_383 : vector<16xi32>
    %broadcast_in_dim3A_385 = vector.shape_cast %xor3A_384 : vector<16xi32> to vector<16x1xi32>
    %gather3A_386 = vector.shape_cast %broadcast_in_dim3A_385 : vector<16x1xi32> to vector<16xi32>
    %gather3A_387 = tpu.dynamic_gather %min3A_381[%gather3A_386] in [0] : vector<16xi32>, vector<16xi32> -> vector<16xi32>
    %min3A_388 = arith.minsi %min3A_381, %gather3A_387 : vector<16xi32>
    %eq3A_389 = arith.cmpi eq, %iota3A_205, %min3A_388 : vector<16xi32>
    %jit3A_390 = arith.constant 0.000000e+00 : f32
    %broadcast_in_dim3A_391 = vector.broadcast %jit3A_390 : f32 to vector<16xf32>
    %select_n3A_392 = arith.select %eq3A_325, %max3A_292, %broadcast_in_dim3A_391 : vector<16xi1>, vector<16xf32>
    %jit3A_393 = arith.constant 0.000000e+00 : f32
    %broadcast_in_dim3A_394 = vector.broadcast %jit3A_393 : f32 to vector<16xf32>
    %select_n3A_395 = arith.select %eq3A_389, %max3A_356, %broadcast_in_dim3A_394 : vector<16xi1>, vector<16xf32>
    %add3A_396 = arith.addf %select_n3A_392, %select_n3A_395 : vector<16xf32>
    %add3A_397 = arith.addf %max3A_292, %max3A_356 : vector<16xf32>
    %div3A_398 = arith.divf %add3A_396, %add3A_397 : vector<16xf32>
    %swap3A_399 = arith.constant 16 : index
    %swap3A_400 = tpu.vector_load %arg7[%swap3A_399] {strides = array<i32>} : memref<32xf32, #tpu.memory_space<vmem>>, vector<16xf32>,
    %swap3A_401 = vector.shape_cast %swap3A_400 : vector<16xf32> to vector<16xf32>
    %swap3A_402 = vector.shape_cast %div3A_398 : vector<16xf32> to vector<16xf32>
    tpu.vector_store %arg7[%swap3A_399], %swap3A_402 {strides = array<i32>} : memref<32xf32, #tpu.memory_space<vmem>>, vector<16xf32>,
    %mul3A_403 = arith.constant 16 : i32
    %mul3A_404 = arith.muli %mul3A_2, %mul3A_403 : i32
    "tpu.region"() ({
      %run_scoped3A = tpu.sem_alloc : memref<!tpu.dma_semaphore, #tpu.memory_space<semaphore_mem>>
      %dma_start3A = tpu.memref_slice %arg4[%mul3A_404] : memref<1024xf32, #tpu.memory_space<hbm>> -> memref<32xf32, #tpu.memory_space<hbm>>
      %dma_start3A_405 = tpu.memref_slice %arg4[%mul3A_404] : memref<1024xf32, #tpu.memory_space<hbm>> -> memref<32xf32, #tpu.memory_space<hbm>>
      tpu.enqueue_dma source(%arg7 : memref<32xf32, #tpu.memory_space<vmem>>) target(%dma_start3A_405 : memref<32xf32, #tpu.memory_space<hbm>>) target_semaphore(%run_scoped3A : memref<!tpu.dma_semaphore, #tpu.memory_space<semaphore_mem>>)
      %dma_wait3A = tpu.memref_slice %arg4[%mul3A_404] : memref<1024xf32, #tpu.memory_space<hbm>> -> memref<32xf32, #tpu.memory_space<hbm>>
      %dma_wait3A_406 = tpu.memref_slice %arg4[%mul3A_404] : memref<1024xf32, #tpu.memory_space<hbm>> -> memref<32xf32, #tpu.memory_space<hbm>>
      tpu.wait_dma2 semaphore(%run_scoped3A : memref<!tpu.dma_semaphore, #tpu.memory_space<semaphore_mem>>) src(%arg7 : memref<32xf32, #tpu.memory_space<vmem>>) dst(%dma_wait3A_406 : memref<32xf32, #tpu.memory_space<hbm>>)
      tpu.yield
    }) : () -> ()
    return
  }
}

module attributes {stable_mosaic.version = 14 : i64} {
  func.func @_combine_body(%arg0: memref<64x16xf32, #tpu.memory_space<vmem>>, %arg1: memref<16x64x1024xf32, #tpu.memory_space<vmem>>, %arg2: memref<64x1024xf32, #tpu.memory_space<vmem>>) attributes {dimension_semantics = [], scalar_prefetch = 0 : i64, scratch_operands = 0 : i64, tpu.core_type = #tpu.core_type<tc>} {
    %get3A = arith.constant 0 : index
    %get3A_0 = arith.constant 0 : index
    %get3A_1 = vector.load %arg0[%get3A, %get3A_0] : memref<64x16xf32, #tpu.memory_space<vmem>>, vector<64x16xf32>
    %slice3A = vector.extract_strided_slice %get3A_1 {offsets = [0, 0], sizes = [64, 1], strides = [1, 1]} : vector<64x16xf32> to vector<64x1xf32>
    %get3A_2 = arith.constant 0 : index
    %get3A_3 = arith.constant 0 : index
    %get3A_4 = arith.constant 0 : index
    %get3A_5 = vector.load %arg1[%get3A_2, %get3A_3, %get3A_4] : memref<16x64x1024xf32, #tpu.memory_space<vmem>>, vector<1x64x1024xf32>
    %get3A_6 = vector.shape_cast %get3A_5 : vector<1x64x1024xf32> to vector<64x1024xf32>
    %mul3A = vector.broadcast %slice3A : vector<64x1xf32> to vector<64x1024xf32>
    %mul3A_7 = arith.mulf %mul3A, %get3A_6 : vector<64x1024xf32>
    %slice3A_8 = vector.extract_strided_slice %get3A_1 {offsets = [0, 1], sizes = [64, 1], strides = [1, 1]} : vector<64x16xf32> to vector<64x1xf32>
    %get3A_9 = arith.constant 1 : index
    %get3A_10 = arith.constant 0 : index
    %get3A_11 = arith.constant 0 : index
    %get3A_12 = vector.load %arg1[%get3A_9, %get3A_10, %get3A_11] : memref<16x64x1024xf32, #tpu.memory_space<vmem>>, vector<1x64x1024xf32>
    %get3A_13 = vector.shape_cast %get3A_12 : vector<1x64x1024xf32> to vector<64x1024xf32>
    %mul3A_14 = vector.broadcast %slice3A_8 : vector<64x1xf32> to vector<64x1024xf32>
    %mul3A_15 = arith.mulf %mul3A_14, %get3A_13 : vector<64x1024xf32>
    %add3A = arith.addf %mul3A_7, %mul3A_15 : vector<64x1024xf32>
    %slice3A_16 = vector.extract_strided_slice %get3A_1 {offsets = [0, 2], sizes = [64, 1], strides = [1, 1]} : vector<64x16xf32> to vector<64x1xf32>
    %get3A_17 = arith.constant 2 : index
    %get3A_18 = arith.constant 0 : index
    %get3A_19 = arith.constant 0 : index
    %get3A_20 = vector.load %arg1[%get3A_17, %get3A_18, %get3A_19] : memref<16x64x1024xf32, #tpu.memory_space<vmem>>, vector<1x64x1024xf32>
    %get3A_21 = vector.shape_cast %get3A_20 : vector<1x64x1024xf32> to vector<64x1024xf32>
    %mul3A_22 = vector.broadcast %slice3A_16 : vector<64x1xf32> to vector<64x1024xf32>
    %mul3A_23 = arith.mulf %mul3A_22, %get3A_21 : vector<64x1024xf32>
    %add3A_24 = arith.addf %add3A, %mul3A_23 : vector<64x1024xf32>
    %slice3A_25 = vector.extract_strided_slice %get3A_1 {offsets = [0, 3], sizes = [64, 1], strides = [1, 1]} : vector<64x16xf32> to vector<64x1xf32>
    %get3A_26 = arith.constant 3 : index
    %get3A_27 = arith.constant 0 : index
    %get3A_28 = arith.constant 0 : index
    %get3A_29 = vector.load %arg1[%get3A_26, %get3A_27, %get3A_28] : memref<16x64x1024xf32, #tpu.memory_space<vmem>>, vector<1x64x1024xf32>
    %get3A_30 = vector.shape_cast %get3A_29 : vector<1x64x1024xf32> to vector<64x1024xf32>
    %mul3A_31 = vector.broadcast %slice3A_25 : vector<64x1xf32> to vector<64x1024xf32>
    %mul3A_32 = arith.mulf %mul3A_31, %get3A_30 : vector<64x1024xf32>
    %add3A_33 = arith.addf %add3A_24, %mul3A_32 : vector<64x1024xf32>
    %slice3A_34 = vector.extract_strided_slice %get3A_1 {offsets = [0, 4], sizes = [64, 1], strides = [1, 1]} : vector<64x16xf32> to vector<64x1xf32>
    %get3A_35 = arith.constant 4 : index
    %get3A_36 = arith.constant 0 : index
    %get3A_37 = arith.constant 0 : index
    %get3A_38 = vector.load %arg1[%get3A_35, %get3A_36, %get3A_37] : memref<16x64x1024xf32, #tpu.memory_space<vmem>>, vector<1x64x1024xf32>
    %get3A_39 = vector.shape_cast %get3A_38 : vector<1x64x1024xf32> to vector<64x1024xf32>
    %mul3A_40 = vector.broadcast %slice3A_34 : vector<64x1xf32> to vector<64x1024xf32>
    %mul3A_41 = arith.mulf %mul3A_40, %get3A_39 : vector<64x1024xf32>
    %add3A_42 = arith.addf %add3A_33, %mul3A_41 : vector<64x1024xf32>
    %slice3A_43 = vector.extract_strided_slice %get3A_1 {offsets = [0, 5], sizes = [64, 1], strides = [1, 1]} : vector<64x16xf32> to vector<64x1xf32>
    %get3A_44 = arith.constant 5 : index
    %get3A_45 = arith.constant 0 : index
    %get3A_46 = arith.constant 0 : index
    %get3A_47 = vector.load %arg1[%get3A_44, %get3A_45, %get3A_46] : memref<16x64x1024xf32, #tpu.memory_space<vmem>>, vector<1x64x1024xf32>
    %get3A_48 = vector.shape_cast %get3A_47 : vector<1x64x1024xf32> to vector<64x1024xf32>
    %mul3A_49 = vector.broadcast %slice3A_43 : vector<64x1xf32> to vector<64x1024xf32>
    %mul3A_50 = arith.mulf %mul3A_49, %get3A_48 : vector<64x1024xf32>
    %add3A_51 = arith.addf %add3A_42, %mul3A_50 : vector<64x1024xf32>
    %slice3A_52 = vector.extract_strided_slice %get3A_1 {offsets = [0, 6], sizes = [64, 1], strides = [1, 1]} : vector<64x16xf32> to vector<64x1xf32>
    %get3A_53 = arith.constant 6 : index
    %get3A_54 = arith.constant 0 : index
    %get3A_55 = arith.constant 0 : index
    %get3A_56 = vector.load %arg1[%get3A_53, %get3A_54, %get3A_55] : memref<16x64x1024xf32, #tpu.memory_space<vmem>>, vector<1x64x1024xf32>
    %get3A_57 = vector.shape_cast %get3A_56 : vector<1x64x1024xf32> to vector<64x1024xf32>
    %mul3A_58 = vector.broadcast %slice3A_52 : vector<64x1xf32> to vector<64x1024xf32>
    %mul3A_59 = arith.mulf %mul3A_58, %get3A_57 : vector<64x1024xf32>
    %add3A_60 = arith.addf %add3A_51, %mul3A_59 : vector<64x1024xf32>
    %slice3A_61 = vector.extract_strided_slice %get3A_1 {offsets = [0, 7], sizes = [64, 1], strides = [1, 1]} : vector<64x16xf32> to vector<64x1xf32>
    %get3A_62 = arith.constant 7 : index
    %get3A_63 = arith.constant 0 : index
    %get3A_64 = arith.constant 0 : index
    %get3A_65 = vector.load %arg1[%get3A_62, %get3A_63, %get3A_64] : memref<16x64x1024xf32, #tpu.memory_space<vmem>>, vector<1x64x1024xf32>
    %get3A_66 = vector.shape_cast %get3A_65 : vector<1x64x1024xf32> to vector<64x1024xf32>
    %mul3A_67 = vector.broadcast %slice3A_61 : vector<64x1xf32> to vector<64x1024xf32>
    %mul3A_68 = arith.mulf %mul3A_67, %get3A_66 : vector<64x1024xf32>
    %add3A_69 = arith.addf %add3A_60, %mul3A_68 : vector<64x1024xf32>
    %slice3A_70 = vector.extract_strided_slice %get3A_1 {offsets = [0, 8], sizes = [64, 1], strides = [1, 1]} : vector<64x16xf32> to vector<64x1xf32>
    %get3A_71 = arith.constant 8 : index
    %get3A_72 = arith.constant 0 : index
    %get3A_73 = arith.constant 0 : index
    %get3A_74 = vector.load %arg1[%get3A_71, %get3A_72, %get3A_73] : memref<16x64x1024xf32, #tpu.memory_space<vmem>>, vector<1x64x1024xf32>
    %get3A_75 = vector.shape_cast %get3A_74 : vector<1x64x1024xf32> to vector<64x1024xf32>
    %mul3A_76 = vector.broadcast %slice3A_70 : vector<64x1xf32> to vector<64x1024xf32>
    %mul3A_77 = arith.mulf %mul3A_76, %get3A_75 : vector<64x1024xf32>
    %add3A_78 = arith.addf %add3A_69, %mul3A_77 : vector<64x1024xf32>
    %slice3A_79 = vector.extract_strided_slice %get3A_1 {offsets = [0, 9], sizes = [64, 1], strides = [1, 1]} : vector<64x16xf32> to vector<64x1xf32>
    %get3A_80 = arith.constant 9 : index
    %get3A_81 = arith.constant 0 : index
    %get3A_82 = arith.constant 0 : index
    %get3A_83 = vector.load %arg1[%get3A_80, %get3A_81, %get3A_82] : memref<16x64x1024xf32, #tpu.memory_space<vmem>>, vector<1x64x1024xf32>
    %get3A_84 = vector.shape_cast %get3A_83 : vector<1x64x1024xf32> to vector<64x1024xf32>
    %mul3A_85 = vector.broadcast %slice3A_79 : vector<64x1xf32> to vector<64x1024xf32>
    %mul3A_86 = arith.mulf %mul3A_85, %get3A_84 : vector<64x1024xf32>
    %add3A_87 = arith.addf %add3A_78, %mul3A_86 : vector<64x1024xf32>
    %slice3A_88 = vector.extract_strided_slice %get3A_1 {offsets = [0, 10], sizes = [64, 1], strides = [1, 1]} : vector<64x16xf32> to vector<64x1xf32>
    %get3A_89 = arith.constant 10 : index
    %get3A_90 = arith.constant 0 : index
    %get3A_91 = arith.constant 0 : index
    %get3A_92 = vector.load %arg1[%get3A_89, %get3A_90, %get3A_91] : memref<16x64x1024xf32, #tpu.memory_space<vmem>>, vector<1x64x1024xf32>
    %get3A_93 = vector.shape_cast %get3A_92 : vector<1x64x1024xf32> to vector<64x1024xf32>
    %mul3A_94 = vector.broadcast %slice3A_88 : vector<64x1xf32> to vector<64x1024xf32>
    %mul3A_95 = arith.mulf %mul3A_94, %get3A_93 : vector<64x1024xf32>
    %add3A_96 = arith.addf %add3A_87, %mul3A_95 : vector<64x1024xf32>
    %slice3A_97 = vector.extract_strided_slice %get3A_1 {offsets = [0, 11], sizes = [64, 1], strides = [1, 1]} : vector<64x16xf32> to vector<64x1xf32>
    %get3A_98 = arith.constant 11 : index
    %get3A_99 = arith.constant 0 : index
    %get3A_100 = arith.constant 0 : index
    %get3A_101 = vector.load %arg1[%get3A_98, %get3A_99, %get3A_100] : memref<16x64x1024xf32, #tpu.memory_space<vmem>>, vector<1x64x1024xf32>
    %get3A_102 = vector.shape_cast %get3A_101 : vector<1x64x1024xf32> to vector<64x1024xf32>
    %mul3A_103 = vector.broadcast %slice3A_97 : vector<64x1xf32> to vector<64x1024xf32>
    %mul3A_104 = arith.mulf %mul3A_103, %get3A_102 : vector<64x1024xf32>
    %add3A_105 = arith.addf %add3A_96, %mul3A_104 : vector<64x1024xf32>
    %slice3A_106 = vector.extract_strided_slice %get3A_1 {offsets = [0, 12], sizes = [64, 1], strides = [1, 1]} : vector<64x16xf32> to vector<64x1xf32>
    %get3A_107 = arith.constant 12 : index
    %get3A_108 = arith.constant 0 : index
    %get3A_109 = arith.constant 0 : index
    %get3A_110 = vector.load %arg1[%get3A_107, %get3A_108, %get3A_109] : memref<16x64x1024xf32, #tpu.memory_space<vmem>>, vector<1x64x1024xf32>
    %get3A_111 = vector.shape_cast %get3A_110 : vector<1x64x1024xf32> to vector<64x1024xf32>
    %mul3A_112 = vector.broadcast %slice3A_106 : vector<64x1xf32> to vector<64x1024xf32>
    %mul3A_113 = arith.mulf %mul3A_112, %get3A_111 : vector<64x1024xf32>
    %add3A_114 = arith.addf %add3A_105, %mul3A_113 : vector<64x1024xf32>
    %slice3A_115 = vector.extract_strided_slice %get3A_1 {offsets = [0, 13], sizes = [64, 1], strides = [1, 1]} : vector<64x16xf32> to vector<64x1xf32>
    %get3A_116 = arith.constant 13 : index
    %get3A_117 = arith.constant 0 : index
    %get3A_118 = arith.constant 0 : index
    %get3A_119 = vector.load %arg1[%get3A_116, %get3A_117, %get3A_118] : memref<16x64x1024xf32, #tpu.memory_space<vmem>>, vector<1x64x1024xf32>
    %get3A_120 = vector.shape_cast %get3A_119 : vector<1x64x1024xf32> to vector<64x1024xf32>
    %mul3A_121 = vector.broadcast %slice3A_115 : vector<64x1xf32> to vector<64x1024xf32>
    %mul3A_122 = arith.mulf %mul3A_121, %get3A_120 : vector<64x1024xf32>
    %add3A_123 = arith.addf %add3A_114, %mul3A_122 : vector<64x1024xf32>
    %slice3A_124 = vector.extract_strided_slice %get3A_1 {offsets = [0, 14], sizes = [64, 1], strides = [1, 1]} : vector<64x16xf32> to vector<64x1xf32>
    %get3A_125 = arith.constant 14 : index
    %get3A_126 = arith.constant 0 : index
    %get3A_127 = arith.constant 0 : index
    %get3A_128 = vector.load %arg1[%get3A_125, %get3A_126, %get3A_127] : memref<16x64x1024xf32, #tpu.memory_space<vmem>>, vector<1x64x1024xf32>
    %get3A_129 = vector.shape_cast %get3A_128 : vector<1x64x1024xf32> to vector<64x1024xf32>
    %mul3A_130 = vector.broadcast %slice3A_124 : vector<64x1xf32> to vector<64x1024xf32>
    %mul3A_131 = arith.mulf %mul3A_130, %get3A_129 : vector<64x1024xf32>
    %add3A_132 = arith.addf %add3A_123, %mul3A_131 : vector<64x1024xf32>
    %slice3A_133 = vector.extract_strided_slice %get3A_1 {offsets = [0, 15], sizes = [64, 1], strides = [1, 1]} : vector<64x16xf32> to vector<64x1xf32>
    %get3A_134 = arith.constant 15 : index
    %get3A_135 = arith.constant 0 : index
    %get3A_136 = arith.constant 0 : index
    %get3A_137 = vector.load %arg1[%get3A_134, %get3A_135, %get3A_136] : memref<16x64x1024xf32, #tpu.memory_space<vmem>>, vector<1x64x1024xf32>
    %get3A_138 = vector.shape_cast %get3A_137 : vector<1x64x1024xf32> to vector<64x1024xf32>
    %mul3A_139 = vector.broadcast %slice3A_133 : vector<64x1xf32> to vector<64x1024xf32>
    %mul3A_140 = arith.mulf %mul3A_139, %get3A_138 : vector<64x1024xf32>
    %add3A_141 = arith.addf %add3A_132, %mul3A_140 : vector<64x1024xf32>
    %swap3A = arith.constant 0 : index
    %swap3A_142 = arith.constant 0 : index
    %swap3A_143 = vector.load %arg2[%swap3A, %swap3A_142] : memref<64x1024xf32, #tpu.memory_space<vmem>>, vector<64x1024xf32>
    tpu.vector_store %arg2[%swap3A, %swap3A_142], %add3A_141 {strides = array<i32>} : memref<64x1024xf32, #tpu.memory_space<vmem>>, vector<64x1024xf32>,
    return
  }
}

module attributes {stable_mosaic.version = 14 : i64} {
  func.func @_moe_body(%arg0: i32, %arg1: i32, %arg2: memref<64x1024xf32, #tpu.memory_space<vmem>>, %arg3: memref<1x896x1024xf32, #tpu.memory_space<vmem>>, %arg4: memref<1x1024x896xf32, #tpu.memory_space<vmem>>, %arg5: memref<1x896x1024xf32, #tpu.memory_space<vmem>>, %arg6: memref<1x64x1024xf32, #tpu.memory_space<vmem>>) attributes {dimension_semantics = [#tpu.dimension_semantics<arbitrary>, #tpu.dimension_semantics<arbitrary>], iteration_bounds = array<i64: 16, 4>, scalar_prefetch = 0 : i64, scratch_operands = 0 : i64, tpu.core_type = #tpu.core_type<tc>, window_params = [{pipeline_mode = #tpu.pipeline_mode<synchronous>, transform_indices = @transform_0, window_bounds = array<i64: 64, 1024>}, {transform_indices = @transform_1, window_bounds = array<i64: 1, 896, 1024>}, {transform_indices = @transform_2, window_bounds = array<i64: 1, 1024, 896>}, {transform_indices = @transform_3, window_bounds = array<i64: 1, 896, 1024>}, {transform_indices = @transform_4, window_bounds = array<i64: 1, 64, 1024>}]} {
    %eq3A = arith.constant 0 : i32
    %eq3A_0 = arith.cmpi eq, %arg1, %eq3A : i32
    %convert_element_type3A = arith.extui %eq3A_0 : i1 to i32
    %cond3A = arith.constant 0 : i32
    %cond3A_1 = arith.cmpi ne, %convert_element_type3A, %cond3A : i32
    scf.if %cond3A_1 {
      %broadcast_in_dim3A = arith.constant 0.000000e+00 : f32
      %broadcast_in_dim3A_40 = vector.broadcast %broadcast_in_dim3A : f32 to vector<1x64x1024xf32>
      %swap3A_41 = arith.constant 0 : index
      %swap3A_42 = arith.constant 0 : index
      %swap3A_43 = arith.constant 0 : index
      %swap3A_44 = vector.load %arg6[%swap3A_41, %swap3A_42, %swap3A_43] : memref<1x64x1024xf32, #tpu.memory_space<vmem>>, vector<1x64x1024xf32>
      tpu.vector_store %arg6[%swap3A_41, %swap3A_42, %swap3A_43], %broadcast_in_dim3A_40 {strides = array<i32>} : memref<1x64x1024xf32, #tpu.memory_space<vmem>>, vector<1x64x1024xf32>,
    } else {
    }
    %get3A = arith.constant 0 : index
    %get3A_2 = arith.constant 0 : index
    %get3A_3 = vector.load %arg2[%get3A, %get3A_2] : memref<64x1024xf32, #tpu.memory_space<vmem>>, vector<64x1024xf32>
    %get3A_4 = arith.constant 0 : index
    %get3A_5 = arith.constant 0 : index
    %get3A_6 = arith.constant 0 : index
    %get3A_7 = vector.load %arg3[%get3A_4, %get3A_5, %get3A_6] : memref<1x896x1024xf32, #tpu.memory_space<vmem>>, vector<1x896x1024xf32>
    %get3A_8 = vector.shape_cast %get3A_7 : vector<1x896x1024xf32> to vector<896x1024xf32>
    %get3A_9 = arith.constant 0 : index
    %get3A_10 = arith.constant 0 : index
    %get3A_11 = arith.constant 0 : index
    %get3A_12 = vector.load %arg5[%get3A_9, %get3A_10, %get3A_11] : memref<1x896x1024xf32, #tpu.memory_space<vmem>>, vector<1x896x1024xf32>
    %get3A_13 = vector.shape_cast %get3A_12 : vector<1x896x1024xf32> to vector<896x1024xf32>
    %get3A_14 = arith.constant 0 : index
    %get3A_15 = arith.constant 0 : index
    %get3A_16 = arith.constant 0 : index
    %get3A_17 = vector.load %arg4[%get3A_14, %get3A_15, %get3A_16] : memref<1x1024x896xf32, #tpu.memory_space<vmem>>, vector<1x1024x896xf32>
    %get3A_18 = vector.shape_cast %get3A_17 : vector<1x1024x896xf32> to vector<1024x896xf32>
    %dot_general3A = arith.constant dense<0.000000e+00> : vector<64x896xf32>
    %dot_general3A_19 = tpu.matmul %get3A_3, %get3A_8, %dot_general3A {dimension_numbers = #tpu.dot_dimension_numbers<[1], [1], [0], [0], [0, 0, 1, 0], [], []>, transpose_lhs_hint = false} : vector<64x1024xf32>, vector<896x1024xf32>, vector<64x896xf32> -> vector<64x896xf32>
    %dot_general3A_20 = arith.constant dense<0.000000e+00> : vector<64x896xf32>
    %dot_general3A_21 = tpu.matmul %get3A_3, %get3A_13, %dot_general3A_20 {dimension_numbers = #tpu.dot_dimension_numbers<[1], [1], [0], [0], [0, 0, 1, 0], [], []>, transpose_lhs_hint = false} : vector<64x1024xf32>, vector<896x1024xf32>, vector<64x896xf32> -> vector<64x896xf32>
    %logistic3A = arith.negf %dot_general3A_19 : vector<64x896xf32>
    %logistic3A_22 = math.exp %logistic3A : vector<64x896xf32>
    %logistic3A_23 = arith.constant 1.000000e+00 : f32
    %logistic3A_24 = vector.broadcast %logistic3A_23 : f32 to vector<64x896xf32>
    %logistic3A_25 = arith.addf %logistic3A_24, %logistic3A_22 : vector<64x896xf32>
    %logistic3A_26 = arith.divf %logistic3A_24, %logistic3A_25 : vector<64x896xf32>
    %mul3A = arith.mulf %dot_general3A_19, %logistic3A_26 : vector<64x896xf32>
    %mul3A_27 = arith.mulf %mul3A, %dot_general3A_21 : vector<64x896xf32>
    %dot_general3A_28 = arith.constant dense<0.000000e+00> : vector<64x1024xf32>
    %dot_general3A_29 = tpu.matmul %mul3A_27, %get3A_18, %dot_general3A_28 {dimension_numbers = #tpu.dot_dimension_numbers<[1], [1], [0], [0], [0, 0, 1, 0], [], []>, transpose_lhs_hint = false} : vector<64x896xf32>, vector<1024x896xf32>, vector<64x1024xf32> -> vector<64x1024xf32>
    %get3A_30 = arith.constant 0 : index
    %get3A_31 = arith.constant 0 : index
    %get3A_32 = arith.constant 0 : index
    %get3A_33 = vector.load %arg6[%get3A_30, %get3A_31, %get3A_32] : memref<1x64x1024xf32, #tpu.memory_space<vmem>>, vector<1x64x1024xf32>
    %get3A_34 = vector.shape_cast %get3A_33 : vector<1x64x1024xf32> to vector<64x1024xf32>
    %add3A = arith.addf %get3A_34, %dot_general3A_29 : vector<64x1024xf32>
    %swap3A = arith.constant 0 : index
    %swap3A_35 = arith.constant 0 : index
    %swap3A_36 = arith.constant 0 : index
    %swap3A_37 = vector.load %arg6[%swap3A, %swap3A_35, %swap3A_36] : memref<1x64x1024xf32, #tpu.memory_space<vmem>>, vector<1x64x1024xf32>
    %swap3A_38 = vector.shape_cast %swap3A_37 : vector<1x64x1024xf32> to vector<64x1024xf32>
    %swap3A_39 = vector.shape_cast %add3A : vector<64x1024xf32> to vector<1x64x1024xf32>
    tpu.vector_store %arg6[%swap3A, %swap3A_35, %swap3A_36], %swap3A_39 {strides = array<i32>} : memref<1x64x1024xf32, #tpu.memory_space<vmem>>, vector<1x64x1024xf32>,
    return
  }
  func.func @transform_0(%arg0: i32, %arg1: i32) -> (i32, i32) {
    %c0_i32 = arith.constant 0 : i32
    %c0_i32_0 = arith.constant 0 : i32
    %c0_i32_1 = arith.constant 0 : i32
    return %c0_i32, %c0_i32_0 : i32, i32
  }
  func.func @transform_1(%arg0: i32, %arg1: i32) -> (i32, i32, i32) {
    %c0_i32 = arith.constant 0 : i32
    %c0_i32_0 = arith.constant 0 : i32
    return %arg0, %arg1, %c0_i32 : i32, i32, i32
  }
  func.func @transform_2(%arg0: i32, %arg1: i32) -> (i32, i32, i32) {
    %c0_i32 = arith.constant 0 : i32
    %c0_i32_0 = arith.constant 0 : i32
    return %arg0, %c0_i32, %arg1 : i32, i32, i32
  }
  func.func @transform_3(%arg0: i32, %arg1: i32) -> (i32, i32, i32) {
    %c0_i32 = arith.constant 0 : i32
    %c0_i32_0 = arith.constant 0 : i32
    return %arg0, %arg1, %c0_i32 : i32, i32, i32
  }
  func.func @transform_4(%arg0: i32, %arg1: i32) -> (i32, i32, i32) {
    %c0_i32 = arith.constant 0 : i32
    %c0_i32_0 = arith.constant 0 : i32
    %c0_i32_1 = arith.constant 0 : i32
    return %arg0, %c0_i32, %c0_i32_0 : i32, i32, i32
  }
}

</mosaic_0001>

<sc_bundles>
// kernel: kernel.5.cloned.1.call-start
scs
__scs_entry_jumppad:
0x0: {  	(pc) =	sbr.rel $0x88, $3  }
0x1: {  	(tag) =	ssettag $0x0;
	lr =	simm.s32 $0x1  }
0x2: {  	[smem:$0x3F9C] =	sst lr;
	_ =	strace $0xD0000000  }
0x3: {  	_ = 	snop  }
0x4: {  	_ = 	snop  }
0x5: {  	_ = 	snop  }
0x6: {  	_ = 	snop  }
0x7: {  	_ = 	snop  }
__scs_overlays_trampoline_lowered:
0x8: {  	[smem:$0x3FAB] =	sst s0  }
0x9: {  	[smem:$0x3FAC] =	sst s1  }
0xa: {  	[smem:$0x3FAD] =	sst s2  }
0xb: {  	[smem:$0x3FAE] =	sst s3  }
0xc: {  	[smem:$0x3FAF] =	sst s4  }
0xd: {  	[smem:$0x3FB0] =	sst s5  }
0xe: {  	[smem:$0x3FB1] =	sst s6  }
0xf: {  	[smem:$0x3FB2] =	sst s7  }
0x10: {  	[smem:$0x3FB3] =	sst s8  }
0x11: {  	[smem:$0x3FB4] =	sst s9;
	s0 =	simm.s32 @!p0 $0x0  }
0x12: {  	s1 =	sld [smem:$0x3F9A];
	s0 =	simm.s32 @p0 $0x1  }
0x13: {  	[smem:$0x3FB5] =	sst s0;
	s0 =	simm.s32 @!p1 $0x0  }
0x14: {  	s2 =	sld [smem:$0x3F99];
	s0 =	simm.s32 @p1 $0x1  }
0x15: {  	[smem:$0x3FB6] =	sst s0;
	s0 =	simm.s32 @!p2 $0x0  }
0x16: {  	s3 =	sld [smem:$0x3FDB];
	s0 =	simm.s32 @p2 $0x1  }
0x17: {  	s4 =	simm.s32 $0x1BF5;
	[smem:$0x3FB8] =	sst s0  }
0x18: {  	s0 =	sld [smem:$0x3F9B];
	_ =	swait.ge [sflag:s4], $0x0  }
0x19: {  	s7 =	sld [smem:$0x3F9C]  }
0x1a: {  	s8 =	sadd.s32 $0xFFFFE003, lr  }
0x1b: {  	s9 =	sadd.s32 $0xFFFFFEF7, lr;
	s5 =	simm.s32 $0xFFFFFFFF;
	p2 =	slt.u32 s8, $0xFFFFF086  }
0x1c: {  	p1 =	slt.u32 s9, $0xF7A;
	s5 =	simm.s32 @!p2 $0x0  }
0x1d: {  	s5 =	simm.s32 @p1 $0x1;
	p0 =	seq.s32 s7, s2  }
0x1e: {  	s7 =	smul.u32 @!p0 $0xF7A, s2;
	p2 =	seq.s32 @!p0 s5, $0x0  }
0x1f: {  	s9 =	smul.u32 $0xF7A, s1;
	s8 =	simm.s32 @!p0 $0x1BF5;
	p2 =	por !p2, p0  }
0x20: {  	[sflag:s8] =	ssyncset.s32 @!p0 $0xFFFFF086;
	s6 =	sadd.s32 @!p0 s3, s7;
	s7 =	simm.s32 @!p0 $0x108  }
0x21: {  	s3 =	sadd.s32 s3, s9;
	s6 =	sadd.s32 @!p0 $0x88, s6;
	s7 =	simm.s32 @p2 $0x1082  }
0x22: {  	[simem:s7], [sflag:s8] =	dma.local @!p0 [hbm:s6], $0xF7A  }
0x23: {  	s9 =	sor.u32 $0xD0000000, s2;
	s6 =	simm.s32 $0x108;
	_ =	swait.ge @!p0 [sflag:s8], $0x0  }
0x24: {  	s3 =	sadd.s32 $0x88, s3;
	s6 =	simm.s32 @!p1 $0x1082;
	[sflag:s4] =	ssyncset.s32 $0xFFFFF086  }
0x25: {  	[simem:s6], [sflag:s4] =	dma.local [hbm:s3], $0xF7A  }
0x26: {  	[smem:$0x3F9C] =	sst s1;
	(tag) =	ssettag s2;
	_ =	strace s9  }
0x27: {  	s1 =	sld [smem:$0x3FAC]  }
0x28: {  	s2 =	sld [smem:$0x3FAD]  }
0x29: {  	s4 =	sld [smem:$0x3FAF]  }
0x2a: {  	p0 =	seq.s32 s5, $0x0;
	s5 =	sld [smem:$0x3FB0]  }
0x2b: {  	s6 =	sld [smem:$0x3FB1]  }
0x2c: {  	s7 =	sld [smem:$0x3FB2]  }
0x2d: {  	s3 =	simm.s32 $0x108;
	s8 =	sld [smem:$0x3FB3]  }
0x2e: {  	s3 =	simm.s32 @!p0 $0x1082;
	s9 =	sld [smem:$0x3FB4]  }
0x2f: {  	lr =	sadd.s32 s0, s3;
	s0 =	sld [smem:$0x3FAB]  }
0x30: {  	s3 =	sld [smem:$0x3FAE]  }
0x31: {  	[smem:$0x3FB7] =	sst s10  }
0x32: {  	s10 =	sld [smem:$0x3FB5];
	_ =	sdelay $0x3  }
0x33: {  	p0 =	seq.s32 s10, $0x1;
	s10 =	sld [smem:$0x3FB7];
	_ =	sdelay $0x3  }
0x34: {  	[smem:$0x3FB7] =	sst s10  }
0x35: {  	s10 =	sld [smem:$0x3FB6];
	_ =	sdelay $0x3  }
0x36: {  	p1 =	seq.s32 s10, $0x1;
	s10 =	sld [smem:$0x3FB7];
	_ =	sdelay $0x3  }
0x37: {  	[smem:$0x3FB7] =	sst s10  }
0x38: {  	s10 =	sld [smem:$0x3FB8]  }
0x39: {  	_ = 	snop;
	(pc) =	sbr.ind lr, $3  }
0x3a: {  	_ = 	snop  }
0x3b: {  	_ = 	snop  }
0x3c: {  	p2 =	seq.s32 s10, $0x1;
	s10 =	sld [smem:$0x3FB7]  }
0x3d: {  	_ =	shalt  }
0x3e: {  	_ =	shalt  }
0x3f: {  	_ =	shalt  }
0x40: {  	_ =	shalt  }
0x41: {  	_ =	shalt  }
0x42: {  	_ =	shalt  }
0x43: {  	_ =	shalt  }
0x44: {  	_ =	shalt  }
0x45: {  	_ =	shalt  }
0x46: {  	_ =	shalt  }
0x47: {  	_ =	shalt  }
0x48: {  	_ =	shalt  }
0x49: {  	_ =	shalt  }
0x4a: {  	_ =	shalt  }
0x4b: {  	_ =	shalt  }
0x4c: {  	_ =	shalt  }
0x4d: {  	_ =	shalt  }
0x4e: {  	_ =	shalt  }
0x4f: {  	_ =	shalt  }
0x50: {  	_ =	shalt  }
0x51: {  	_ =	shalt  }
0x52: {  	_ =	shalt  }
0x53: {  	_ =	shalt  }
0x54: {  	_ =	shalt  }
0x55: {  	_ =	shalt  }
0x56: {  	_ =	shalt  }
0x57: {  	_ =	shalt  }
0x58: {  	_ =	shalt  }
0x59: {  	_ =	shalt  }
0x5a: {  	_ =	shalt  }
0x5b: {  	_ =	shalt  }
0x5c: {  	_ =	shalt  }
0x5d: {  	_ =	shalt  }
0x5e: {  	_ =	shalt  }
0x5f: {  	_ =	shalt  }
0x60: {  	_ =	shalt  }
0x61: {  	_ =	shalt  }
0x62: {  	_ =	shalt  }
0x63: {  	_ =	shalt  }
0x64: {  	_ =	shalt  }
0x65: {  	_ =	shalt  }
0x66: {  	_ =	shalt  }
0x67: {  	_ =	shalt  }
0x68: {  	_ =	shalt  }
0x69: {  	_ =	shalt  }
0x6a: {  	_ =	shalt  }
0x6b: {  	_ =	shalt  }
0x6c: {  	_ =	shalt  }
0x6d: {  	_ =	shalt  }
0x6e: {  	_ =	shalt  }
0x6f: {  	_ =	shalt  }
0x70: {  	_ =	shalt  }
0x71: {  	_ =	shalt  }
0x72: {  	_ =	shalt  }
0x73: {  	_ =	shalt  }
0x74: {  	_ =	shalt  }
0x75: {  	_ =	shalt  }
0x76: {  	_ =	shalt  }
0x77: {  	_ =	shalt  }
0x78: {  	_ =	shalt  }
0x79: {  	_ =	shalt  }
0x7a: {  	_ =	shalt  }
0x7b: {  	_ =	shalt  }
0x7c: {  	_ =	shalt  }
0x7d: {  	_ =	shalt  }
0x7e: {  	_ =	shalt  }
0x7f: {  	_ =	shalt  }
0x80: {  	_ =	shalt  }
0x81: {  	_ =	shalt  }
0x82: {  	_ =	shalt  }
0x83: {  	_ =	shalt  }
0x84: {  	_ =	shalt  }
0x85: {  	_ =	shalt  }
0x86: {  	_ =	shalt  }
0x87: {  	_ =	shalt  }
.Lfunc_end0:
.L_simem_size_0:
called_computation_lowered:
.L_overlay_start_0:
0x88: {  	s2 =	sld [smem:$0x3FD9]  }
0x89: {  	s3 =	sld [smem:$0x3FFE];
	_ =	sdelay $0x1  }
0x8a: {  	s1 =	srdreg.scid  }
0x8b: {  	s0 =	sand.u32 $0x1, s1  }
0x8c: {  	s17 =	sshll.u32 s0, $0xA;
	s2 =	sadd.s32 s3, s2  }
0x8d: {  	s2 =	sadd.s32 s2, s17  }
0x8e: {  	[smem:$0x3FC3] =	sst s2  }
0x8f: {  	_ = 	snop  }
0x90: {  	s2 =	sld [smem:$0x3FD0];
	(tm) =	ssettm $0x1  }
0x91: {  	s18 =	sld [smem:$0x3FFB];
	_ =	sdelay $0x3  }
0x92: {  	_ =	strace s18  }
0x93: {  	s3 =	sld [smem:$0x3FFC];
	_ =	sdelay $0x3  }
0x94: {  	_ =	strace s3  }
0x95: {  	s3 =	sld [smem:$0x3FFD];
	_ =	sdelay $0x3  }
0x96: {  	_ =	strace s3  }
0x97: {  	_ =	strace $0x8FFFFFFF  }
0x98: {  	s19 =	sld [smem:$0x3FDB];
	_ =	sdelay $0x1  }
0x99: {  	s4 =	simm.s32 $_scs_section_size  }
0x9a: {  	s5 =	simm.s32 $_size__tile_overlayer_lowered;
	s6 =	simm.s32 $_tile_overlayer_lowered  }
0x9b: {  	s22 =	simm.s32 $0x1BFF;
	s21 =	sshll.u32 s6, $0x1;
	s3 =	sadd.s32 s4, s19  }
0x9c: {  	s7 =	simm.s32 $0x0;
	s20 =	sshll.u32 s5, $0x1;
	s5 =	sadd.s32 s21, s3  }
0x9d: {  	[timem:s7], [sflag:s22] =	dma.local [hbm:s5], s20  }
0x9e: {  	_ =	swait.ge [sflag:s22], s20  }
0x9f: {  	s4 =	ssub.s32 $0x0, s20;
	[sflag:s22] =	ssyncset.done $0x0  }
0xa0: {  	[sflag:s22] =	ssyncadd.s32 s4;
	_ =	sdelay $0x1  }
0xa1: {  	s23 =	simm.s32 $0x1B8B  }
0xa2: {  	_ =	swait.ge [sflag:s23], $0x1  }
0xa3: {  	[sflag:s23] =	ssyncset.done $0x0  }
0xa4: {  	s25 =	simm.s32 $0x1B8E;
	s24 =	sld [smem:$0x3FFE];
	[sflag:s23] =	ssyncadd.s32 $0xFFFFFFFF  }
0xa5: {  	s26 =	simm.s32 $execute0_lowered;
	[smem:$0x3FD2] =	sst s25  }
0xa6: {  	s5 =	sshll.u32 s26, $0x1;
	_ =	strace $0x80000046;
	[dreg:$0x1] =	wrdreg $0xFFFFFFFF  }
0xa7: {  	s28 =	simm.s32 $_size_execute0_lowered;
	s3 =	sadd.s32 s3, s5;
	[dreg:$0x0] =	wrdreg $0x0  }
0xa8: {  	s5 =	sshll.u32 s28, $0x1;
	[dreg:$0x2] =	wrdreg s3  }
0xa9: {  	[dreg:$0x3] =	wrdreg s5  }
0xaa: {  	[dreg:$0x4] =	wrdreg $0xC0  }
0xab: {  	_ =	task [dreg:s7], $0x5FFFF  }
0xac: {  	[dreg:$0x1] =	wrdreg $0xFFFFFFFF  }
0xad: {  	[dreg:$0x0] =	wrdreg $0x60  }
0xae: {  	[dreg:$0x2] =	wrdreg s2  }
0xaf: {  	[dreg:$0x3] =	wrdreg s24  }
0xb0: {  	[dreg:$0x4] =	wrdreg $0x9  }
0xb1: {  	_ =	task.clear_ibuf [dreg:s7], $0x5FFFF;
	_ =	strace $0x90000046  }
0xb2: {  	s29 =	simm.s32 $0x9;
	_ =	strace $0x80000048  }
0xb3: {  	_ =	swait.ge [sflag:s29], $0x1  }
0xb4: {  	[sflag:s29] =	ssyncadd.s32 $0xFFFFFFFF  }
0xb5: {  	_ =	strace $0x90000048  }
0xb6: {  	_ =	sfence  }
0xb7: {  	s30 =	sld [smem:$0x0];
	_ =	sdelay $0x2  }
0xb8: {  	s31 =	sshll.u32 s1, $0xD;
	s1 =	sshrl.u32 s1, $0x2  }
0xb9: {  	s3 =	sand.u32 $0x4000, s31;
	s1 =	sadd.s32 s1, s30  }
0xba: {  	s0 =	sor.u32 s3, s0;
	s1 =	sshll.u32 s1, $0x11  }
0xbb: {  	s0 =	sor.u32 s1, s0  }
0xbc: {  	s0 =	sadd.s32 $0x8F2B, s0  }
0xbd: {  	[sflag:s0] =	ssyncadd.remote.s32 $0x1  }
0xbe: {  	_ =	sfence.sel $0xFFFF  }
0xbf: {  	[dreg:$0x0] =	wrdreg $0xFFFFFFFF;
	(pc) =	sbr.abs _section_cstart, $3  }
0xc0: {  	[dreg:$0x1] =	wrdreg $0xFFFFFFFF  }
0xc1: {  	_ =	task.clear_ibuf [dreg:s7], $0x2FFFF;
	_ =	strace $0x9FFFFFFF  }
0xc2: {  	(tm) =	ssettm $0x7FFFFFFF  }
0xc3: {  	_ =	shalt  }
tec
execute0_lowered:
.L_overlay_start_1:
0x0: {  	(tag) =	ssettag $0x1  }
0x1: {  	v0 =	vimm.s32 $0xFEDCBA98;
	v1 =	vimm.s32 $0x76543210  }
0x2: {  	v2 =	vimm.s32 $0xBA98FEDC;
	v3 =	vimm.s32 $0x32107654;
	v4 =	vimm.s32 $0xDCFE98BA  }
0x3: {  	s4 =	rddreg [dreg:$0x0];
	v5 =	vimm.s32 $0x54761032;
	v6 =	vimm.s32 $0xEFCDAB89;
	v7 =	vimm.s32 $0x67452301  }
0x4: {  	s5 =	rddreg [dreg:$0x1];
	v0 =	vunpack.c.l.s4.s8 v0;
	v1 =	vunpack.c.l.s4.s8 v1;
	v2 =	vunpack.c.l.s4.s8 v2  }
0x5: {  	s0 =	simm.s32 $0x0;
	s1 =	rddreg [dreg:$0x2];
	v3 =	vunpack.c.l.s4.s8 v3;
	v4 =	vunpack.c.l.s4.s8 v4;
	v5 =	vunpack.c.l.s4.s8 v5  }
0x6: {  	s3 =	srdreg.scid;
	s2 =	stileid.u32;
	s10 =	simm.s32 $0x0;
	v6 =	vunpack.c.l.s4.s8 v6;
	v7 =	vunpack.c.l.s4.s8 v7;
	v0 =	vunpack.c.0.s8.s32 v0  }
0x7: {  	[smem:$0x7FF] =	sst s0;
	s6 =	sand.u32 $0x1, s3;
	s7 =	sshll.u32 s2, $0x1;
	v2 =	vunpack.c.0.s8.s32 v2;
	v3 =	vunpack.c.0.s8.s32 v3;
	v4 =	vunpack.c.0.s8.s32 v4  }
0x8: {  	s3 =	sadd.s32 $0x600, s5;
	s7 =	sor.u32 s6, s7;
	s6 =	ssub.s32 $0x2, s6;
	v5 =	vunpack.c.0.s8.s32 v5;
	v6 =	vunpack.c.0.s8.s32 v6;
	v7 =	vunpack.c.0.s8.s32 v7  }
0x9: {  	_ =	strace $0x80000047;
	s8 =	sshll.u32 s7, $0x2;
	s9 =	sshrl.u32 s6, $0x1;
	v1 =	vunpack.c.0.s8.s32 v1;
	v2 =	vcombine.low v3, v2  }
0xa: {  	s7 =	sshll.u32 s7, $0x8;
	s5 =	sadd.s32 s8, s5;
	s6 =	ssub.s32 s6, s9;
	v3 =	vcombine.low v5, v4;
	v4 =	vcombine.low v7, v6;
	v0 =	vand.u32 $0xF, v0  }
0xb: {  	s4 =	sadd.s32 s4, s7;
	s7 =	simm.s32 $0x1;
	s8 =	simm.s32 $0x800;
	v0 =	vcombine.low v0, v1;
	v1 =	vand.u32 $0xF, v2  }
0xc: {  	s9 =	simm.s32 $0x4800;
	s5 =	sadd.s32 $0xE00, s5;
	s6 =	smax.u32 s6, $0x1;
	v2 =	vand.u32 $0xF, v3;
	v3 =	vand.u32 $0xF, v4;
	v4 =	vlaneseq.u32  }
.LBB2_1:
0xd: {  	[tilespmem:s0], [sflag:$0x1] =	stream.linear.gather [hbm4b:s4+s0], $0x800, $0x38;
	[tilespmem:$0x4880] =	vst v63  }
0xe: {  	_ =	swait.ge [sflag:s7], $0x800  }
0xf: {  	[sflag:s7] =	ssyncset.done $0x0  }
0x10: {  	[sflag:s7] =	ssyncadd.s32 $0xFFFFF800  }
0x11: {  	[tilespmem:s8], [sflag:$0x1] =	stream.linear.gather [hbm4b:s3+s0], $0x4000, $0x38;
	[tilespmem:$0x4880] =	vst v63  }
0x12: {  	_ =	swait.ge [sflag:s7], $0x4000  }
0x13: {  	[sflag:s7] =	ssyncset.done $0x0  }
0x14: {  	s11 =	simm.s32 $0x0;
	[sflag:s7] =	ssyncadd.s32 $0xFFFFC000  }
0x15: {  	v5 =	vld [tilespmem:s11+$0x0]  }
0x16: {  	s11 =	simm.s32 $0x880  }
0x17: {  	v6 =	vld [tilespmem:s11+$0xFFFFFF80];
	_ =	sdelay $0x1  }
0x18: {  	v7 =	vld [tilespmem:s11+$0xFFFFFF90]  }
0x19: {  	v8 =	vbroadcast v5, $0x0  }
0x1a: {  	v9 =	vld [tilespmem:s11+$0xFFFFFFA0]  }
0x1b: {  	v6 =	vmul.f32 v6, v8;
	v8 =	vbroadcast v5, $0x1  }
0x1c: {  	v10 =	vimm.f32 $0.0e+00;
	v11 =	vld [tilespmem:s11+$0xFFFFFFB0]  }
0x1d: {  	v6 =	vadd.f32 v6, v10;
	v7 =	vmul.f32 v7, v8;
	v8 =	vbroadcast v5, $0x2  }
0x1e: {  	v10 =	vld [tilespmem:s11+$0xFFFFFFC0]  }
0x1f: {  	v6 =	vadd.f32 v7, v6;
	v7 =	vmul.f32 v9, v8;
	v8 =	vbroadcast v5, $0x3  }
0x20: {  	v9 =	vld [tilespmem:s11+$0xFFFFFFD0]  }
0x21: {  	v6 =	vadd.f32 v7, v6;
	v7 =	vmul.f32 v11, v8;
	v8 =	vbroadcast v5, $0x4  }
0x22: {  	v11 =	vld [tilespmem:s11+$0xFFFFFFE0]  }
0x23: {  	v6 =	vadd.f32 v7, v6;
	v7 =	vmul.f32 v10, v8;
	v8 =	vbroadcast v5, $0x5  }
0x24: {  	v10 =	vld [tilespmem:s11+$0xFFFFFFF0]  }
0x25: {  	v6 =	vadd.f32 v7, v6;
	v7 =	vmul.f32 v9, v8;
	v8 =	vbroadcast v5, $0x6  }
0x26: {  	v9 =	vld [tilespmem:s11+$0x0]  }
0x27: {  	v6 =	vadd.f32 v7, v6;
	v7 =	vmul.f32 v11, v8;
	v8 =	vbroadcast v5, $0x7  }
0x28: {  	v11 =	vld [tilespmem:s11+$0x10]  }
0x29: {  	v6 =	vadd.f32 v7, v6;
	v7 =	vmul.f32 v10, v8;
	v8 =	vbroadcast v5, $0x8  }
0x2a: {  	v10 =	vld [tilespmem:s11+$0x20]  }
0x2b: {  	v6 =	vadd.f32 v7, v6;
	v7 =	vmul.f32 v9, v8;
	v8 =	vbroadcast v5, $0x9  }
0x2c: {  	v9 =	vld [tilespmem:s11+$0x30]  }
0x2d: {  	v6 =	vadd.f32 v7, v6;
	v7 =	vmul.f32 v11, v8;
	v8 =	vbroadcast v5, $0xA  }
0x2e: {  	v11 =	vld [tilespmem:s11+$0x40]  }
0x2f: {  	v6 =	vadd.f32 v7, v6;
	v7 =	vmul.f32 v10, v8;
	v10 =	vbroadcast v5, $0xB  }
0x30: {  	v8 =	vld [tilespmem:s11+$0x50]  }
0x31: {  	v7 =	vadd.f32 v7, v6;
	v9 =	vmul.f32 v9, v10;
	v10 =	vbroadcast v5, $0xC  }
0x32: {  	v6 =	vld [tilespmem:s11+$0x60]  }
0x33: {  	s13 =	simm.s32 $0x10;
	s12 =	simm.s32 $0x80;
	v9 =	vadd.f32 v9, v7;
	v10 =	vmul.f32 v11, v10;
	v11 =	vbroadcast v5, $0xD;
	v7 =	vld [tilespmem:s11+$0x70]  }
.LBB2_2:
0x34: {  	p0 =	sne.s32 s12, $0xFC0;
	v12 =	vld [tilespmem:s13+$0x0]  }
0x35: {  	s11 =	sadd.s32 $0x100, s11;
	v9 =	vadd.f32 v10, v9;
	v8 =	vmul.f32 v8, v11;
	v10 =	vbroadcast v5, $0xE  }
0x36: {  	v11 =	vld [tilespmem:s11+$0xFFFFFF80]  }
0x37: {  	v13 =	vbroadcast v5, $0xF;
	v8 =	vadd.f32 v8, v9;
	v6 =	vmul.f32 v6, v10  }
0x38: {  	v9 =	vld [tilespmem:s11+$0xFFFFFF90]  }
0x39: {  	v7 =	vmul.f32 v7, v13;
	v10 =	vbroadcast v12, $0x0;
	v6 =	vadd.f32 v6, v8;
	v5 =	vmovc v12  }
0x3a: {  	v8 =	vld [tilespmem:s11+$0xFFFFFFA0]  }
0x3b: {  	v10 =	vmul.f32 v11, v10;
	v11 =	vbroadcast v5, $0x1;
	v6 =	vadd.f32 v7, v6  }
0x3c: {  	v7 =	vld [tilespmem:s11+$0xFFFFFFB0]  }
0x3d: {  	v6 =	vadd.f32 v10, v6;
	v9 =	vmul.f32 v9, v11;
	v10 =	vbroadcast v5, $0x2  }
0x3e: {  	v11 =	vld [tilespmem:s11+$0xFFFFFFC0]  }
0x3f: {  	v6 =	vadd.f32 v9, v6;
	v8 =	vmul.f32 v8, v10;
	v9 =	vbroadcast v5, $0x3  }
0x40: {  	v10 =	vld [tilespmem:s11+$0xFFFFFFD0]  }
0x41: {  	v6 =	vadd.f32 v8, v6;
	v7 =	vmul.f32 v7, v9;
	v8 =	vbroadcast v5, $0x4  }
0x42: {  	v9 =	vld [tilespmem:s11+$0xFFFFFFE0]  }
0x43: {  	v6 =	vadd.f32 v7, v6;
	v7 =	vmul.f32 v11, v8;
	v8 =	vbroadcast v5, $0x5  }
0x44: {  	v11 =	vld [tilespmem:s11+$0xFFFFFFF0]  }
0x45: {  	v6 =	vadd.f32 v7, v6;
	v7 =	vmul.f32 v10, v8;
	v8 =	vbroadcast v5, $0x6  }
0x46: {  	v10 =	vld [tilespmem:s11+$0x0]  }
0x47: {  	v6 =	vadd.f32 v7, v6;
	v7 =	vmul.f32 v9, v8;
	v8 =	vbroadcast v5, $0x7  }
0x48: {  	v9 =	vld [tilespmem:s11+$0x10]  }
0x49: {  	v6 =	vadd.f32 v7, v6;
	v7 =	vmul.f32 v11, v8;
	v8 =	vbroadcast v5, $0x8  }
0x4a: {  	v11 =	vld [tilespmem:s11+$0x20]  }
0x4b: {  	v6 =	vadd.f32 v7, v6;
	v7 =	vmul.f32 v10, v8;
	v8 =	vbroadcast v5, $0x9  }
0x4c: {  	v10 =	vld [tilespmem:s11+$0x30]  }
0x4d: {  	v6 =	vadd.f32 v7, v6;
	v7 =	vmul.f32 v9, v8;
	v8 =	vbroadcast v5, $0xA  }
0x4e: {  	v12 =	vld [tilespmem:s11+$0x40]  }
.Ltmp0:
0x4f: {  	v9 =	vbroadcast v5, $0xB;
	v6 =	vadd.f32 v7, v6;
	v7 =	vmul.f32 v11, v8;
	(pc) =	sbr.rel @p0 .LBB2_2-.Ltmp0, $4  }
0x50: {  	v8 =	vld [tilespmem:s11+$0x50]  }
0x51: {  	v7 =	vadd.f32 v7, v6;
	v9 =	vmul.f32 v10, v9;
	v10 =	vbroadcast v5, $0xC  }
0x52: {  	v6 =	vld [tilespmem:s11+$0x60]  }
0x53: {  	s13 =	sshra.s32 s12, $0x2;
	s12 =	sadd.s32 $0x40, s12;
	v11 =	vbroadcast v5, $0xD;
	v9 =	vadd.f32 v9, v7;
	v10 =	vmul.f32 v12, v10;
	v7 =	vld [tilespmem:s11+$0x70]  }
0x54: {  	v12 =	vld [tilespmem:s13+$0x0]  }
0x55: {  	s11 =	sadd.s32 $0x100, s11;
	v9 =	vadd.f32 v10, v9;
	v8 =	vmul.f32 v8, v11;
	v10 =	vbroadcast v5, $0xE  }
0x56: {  	v11 =	vld [tilespmem:s11+$0xFFFFFF80]  }
0x57: {  	v5 =	vbroadcast v5, $0xF;
	v8 =	vadd.f32 v8, v9;
	v6 =	vmul.f32 v6, v10  }
0x58: {  	v9 =	vld [tilespmem:s11+$0xFFFFFF90]  }
0x59: {  	v5 =	vmul.f32 v7, v5;
	v10 =	vbroadcast v12, $0x0;
	v6 =	vadd.f32 v6, v8  }
0x5a: {  	v7 =	vld [tilespmem:s11+$0xFFFFFFA0]  }
0x5b: {  	v8 =	vmul.f32 v11, v10;
	v10 =	vbroadcast v12, $0x1;
	v5 =	vadd.f32 v5, v6  }
0x5c: {  	v6 =	vld [tilespmem:s11+$0xFFFFFFB0]  }
0x5d: {  	v5 =	vadd.f32 v8, v5;
	v8 =	vmul.f32 v9, v10;
	v9 =	vbroadcast v12, $0x2  }
0x5e: {  	v10 =	vld [tilespmem:s11+$0xFFFFFFC0]  }
0x5f: {  	v5 =	vadd.f32 v8, v5;
	v7 =	vmul.f32 v7, v9;
	v8 =	vbroadcast v12, $0x3  }
0x60: {  	v9 =	vld [tilespmem:s11+$0xFFFFFFD0]  }
0x61: {  	v5 =	vadd.f32 v7, v5;
	v6 =	vmul.f32 v6, v8;
	v7 =	vbroadcast v12, $0x4  }
0x62: {  	v8 =	vld [tilespmem:s11+$0xFFFFFFE0]  }
0x63: {  	v5 =	vadd.f32 v6, v5;
	v6 =	vmul.f32 v10, v7;
	v7 =	vbroadcast v12, $0x5  }
0x64: {  	v10 =	vld [tilespmem:s11+$0xFFFFFFF0]  }
0x65: {  	v5 =	vadd.f32 v6, v5;
	v6 =	vmul.f32 v9, v7;
	v7 =	vbroadcast v12, $0x6  }
0x66: {  	v9 =	vld [tilespmem:s11+$0x0]  }
0x67: {  	v5 =	vadd.f32 v6, v5;
	v6 =	vmul.f32 v8, v7;
	v7 =	vbroadcast v12, $0x7  }
0x68: {  	v8 =	vld [tilespmem:s11+$0x10]  }
0x69: {  	v5 =	vadd.f32 v6, v5;
	v6 =	vmul.f32 v10, v7;
	v7 =	vbroadcast v12, $0x8  }
0x6a: {  	v10 =	vld [tilespmem:s11+$0x20]  }
0x6b: {  	v5 =	vadd.f32 v6, v5;
	v6 =	vmul.f32 v9, v7;
	v7 =	vbroadcast v12, $0x9  }
0x6c: {  	v9 =	vld [tilespmem:s11+$0x30]  }
0x6d: {  	v5 =	vadd.f32 v6, v5;
	v6 =	vmul.f32 v8, v7;
	v7 =	vbroadcast v12, $0xA  }
0x6e: {  	v8 =	vld [tilespmem:s11+$0x40]  }
0x6f: {  	v5 =	vadd.f32 v6, v5;
	v6 =	vmul.f32 v10, v7;
	v7 =	vbroadcast v12, $0xB  }
0x70: {  	v10 =	vld [tilespmem:s11+$0x50]  }
0x71: {  	v5 =	vadd.f32 v6, v5;
	v6 =	vmul.f32 v9, v7;
	v7 =	vbroadcast v12, $0xC  }
0x72: {  	v9 =	vld [tilespmem:s11+$0x60]  }
0x73: {  	v5 =	vadd.f32 v6, v5;
	v6 =	vmul.f32 v8, v7;
	v7 =	vbroadcast v12, $0xD  }
0x74: {  	v8 =	vld [tilespmem:s11+$0x70]  }
0x75: {  	v5 =	vadd.f32 v6, v5;
	v6 =	vmul.f32 v10, v7;
	v7 =	vbroadcast v12, $0xE;
	_ =	sdelay $0x1  }
0x76: {  	v5 =	vadd.f32 v6, v5;
	v6 =	vmul.f32 v9, v7;
	v7 =	vbroadcast v12, $0xF;
	_ =	sdelay $0x1  }
0x77: {  	v5 =	vadd.f32 v6, v5;
	v6 =	vmul.f32 v8, v7;
	_ =	sdelay $0x1  }
0x78: {  	v5 =	vadd.f32 v6, v5;
	_ =	sdelay $0x1  }
0x79: {  	v6 =	vperm.xlane v5, v0;
	_ =	sdelay $0x1  }
0x7a: {  	v6 =	vmax.f32 v5, v6  }
0x7b: {  	v7 =	vperm.xlane v6, v1;
	_ =	sdelay $0x1  }
0x7c: {  	v6 =	vmax.f32 v6, v7  }
0x7d: {  	v7 =	vperm.xlane v6, v2;
	_ =	sdelay $0x1  }
0x7e: {  	v6 =	vmax.f32 v6, v7  }
0x7f: {  	v7 =	vperm.xlane v6, v3;
	_ =	sdelay $0x1  }
0x80: {  	v6 =	vmax.f32 v6, v7  }
0x81: {  	v5 =	vsub.f32 v5, v6;
	_ =	sdelay $0x1  }
0x82: {  	v5 =	vmul.f32 $1.442695020e+00, v5;
	_ =	sdelay $0x1  }
0x83: {  	(erf) = vpow2.f32 v5;
	_ =	sdelay $0x8  }
0x84: {  	v5 =	vpop (erf)  }
0x85: {  	v6 =	vperm.xlane v5, v0;
	_ =	sdelay $0x1  }
0x86: {  	v6 =	vadd.f32 v5, v6;
	_ =	sdelay $0x1  }
0x87: {  	v7 =	vperm.xlane v6, v1;
	_ =	sdelay $0x1  }
0x88: {  	v6 =	vadd.f32 v6, v7;
	_ =	sdelay $0x1  }
0x89: {  	v7 =	vperm.xlane v6, v2;
	_ =	sdelay $0x1  }
0x8a: {  	v6 =	vadd.f32 v6, v7;
	_ =	sdelay $0x1  }
0x8b: {  	v7 =	vperm.xlane v6, v3;
	_ =	sdelay $0x1  }
0x8c: {  	v6 =	vadd.f32 v6, v7;
	_ =	sdelay $0x1  }
0x8d: {  	(erf) = vrcp.f32 v6;
	_ =	sdelay $0x8  }
0x8e: {  	v6 =	vpop (erf)  }
0x8f: {  	v5 =	vmul.f32 v6, v5;
	_ =	sdelay $0x1  }
0x90: {  	v6 =	vperm.xlane v5, v0;
	_ =	sdelay $0x1  }
0x91: {  	v6 =	vmax.f32 v5, v6  }
0x92: {  	v7 =	vperm.xlane v6, v1;
	_ =	sdelay $0x1  }
0x93: {  	v6 =	vmax.f32 v6, v7  }
0x94: {  	v7 =	vperm.xlane v6, v2;
	_ =	sdelay $0x1  }
0x95: {  	v6 =	vmax.f32 v6, v7  }
0x96: {  	v7 =	vperm.xlane v6, v3;
	_ =	sdelay $0x1  }
0x97: {  	v6 =	vmax.f32 v6, v7  }
0x98: {  	vm0 =	veq.f32 v5, v6  }
0x99: {  	v7 =	vnsel vm0, $0x10, v4  }
0x9a: {  	v8 =	vperm.xlane v7, v0;
	_ =	sdelay $0x1  }
0x9b: {  	vm0 =	vlt.s32 v7, v8  }
0x9c: {  	v7 =	vsel vm0, v7, v8  }
0x9d: {  	v8 =	vperm.xlane v7, v1;
	_ =	sdelay $0x1  }
0x9e: {  	vm0 =	vlt.s32 v7, v8  }
0x9f: {  	v7 =	vsel vm0, v7, v8  }
0xa0: {  	v8 =	vperm.xlane v7, v2;
	_ =	sdelay $0x1  }
0xa1: {  	vm0 =	vlt.s32 v7, v8  }
0xa2: {  	v7 =	vsel vm0, v7, v8  }
0xa3: {  	v8 =	vperm.xlane v7, v3;
	_ =	sdelay $0x1  }
0xa4: {  	vm0 =	vlt.s32 v7, v8  }
0xa5: {  	v7 =	vsel vm0, v7, v8  }
0xa6: {  	vm0 =	veq.s32 v7, v4  }
0xa7: {  	v5 =	vsel vm0, $0xBF800000, v5  }
0xa8: {  	v7 =	vperm.xlane v5, v0;
	_ =	sdelay $0x1  }
0xa9: {  	v7 =	vmax.f32 v5, v7  }
0xaa: {  	v8 =	vperm.xlane v7, v1;
	_ =	sdelay $0x1  }
0xab: {  	v7 =	vmax.f32 v7, v8  }
0xac: {  	v8 =	vperm.xlane v7, v2;
	_ =	sdelay $0x1  }
0xad: {  	v7 =	vmax.f32 v7, v8  }
0xae: {  	v8 =	vperm.xlane v7, v3;
	_ =	sdelay $0x1  }
0xaf: {  	v7 =	vmax.f32 v7, v8  }
0xb0: {  	vm1 =	veq.f32 v5, v7  }
0xb1: {  	v5 =	vnsel vm1, $0x10, v4  }
0xb2: {  	v8 =	vperm.xlane v5, v0;
	_ =	sdelay $0x1  }
0xb3: {  	vm1 =	vlt.s32 v5, v8  }
0xb4: {  	v5 =	vsel vm1, v5, v8  }
0xb5: {  	v8 =	vperm.xlane v5, v1;
	_ =	sdelay $0x1  }
0xb6: {  	vm1 =	vlt.s32 v5, v8  }
0xb7: {  	v5 =	vsel vm1, v5, v8  }
0xb8: {  	v8 =	vperm.xlane v5, v2  }
0xb9: {  	v9 =	vadd.f32 v7, v6  }
0xba: {  	vm1 =	vlt.s32 v5, v8  }
0xbb: {  	(erf) = vrcp.f32 v9;
	v5 =	vsel vm1, v5, v8  }
0xbc: {  	v8 =	vperm.xlane v5, v3;
	_ =	sdelay $0x1  }
0xbd: {  	vm1 =	vlt.s32 v5, v8  }
0xbe: {  	v5 =	vsel vm1, v5, v8  }
0xbf: {  	vm1 =	veq.s32 v5, v4  }
0xc0: {  	v5 =	vnsel vm0, $0x0, v6;
	v6 =	vnsel vm1, $0x0, v7;
	_ =	sdelay $0x1  }
0xc1: {  	v5 =	vadd.f32 v6, v5  }
0xc2: {  	v6 =	vpop (erf)  }
0xc3: {  	v5 =	vmul.f32 v5, v6  }
0xc4: {  	s31 =	simm.s32 $0x0  }
0xc5: {  	s11 =	sand.u32 $0x3F0, s31;
	[tilespmem:$0x4800] =	vst v5  }
0xc6: {  	v5 =	vld [tilespmem:s11+$0x400]  }
0xc7: {  	s11 =	simm.s32 $0x880  }
0xc8: {  	v6 =	vld [tilespmem:s11+$0xFFFFFF80];
	_ =	sdelay $0x1  }
0xc9: {  	v7 =	vld [tilespmem:s11+$0xFFFFFF90]  }
0xca: {  	v8 =	vbroadcast v5, $0x0  }
0xcb: {  	v9 =	vld [tilespmem:s11+$0xFFFFFFA0]  }
0xcc: {  	v6 =	vmul.f32 v6, v8;
	v8 =	vbroadcast v5, $0x1  }
0xcd: {  	v10 =	vimm.f32 $0.0e+00;
	v11 =	vld [tilespmem:s11+$0xFFFFFFB0]  }
0xce: {  	v6 =	vadd.f32 v6, v10;
	v7 =	vmul.f32 v7, v8;
	v8 =	vbroadcast v5, $0x2  }
0xcf: {  	v10 =	vld [tilespmem:s11+$0xFFFFFFC0]  }
0xd0: {  	v6 =	vadd.f32 v7, v6;
	v7 =	vmul.f32 v9, v8;
	v8 =	vbroadcast v5, $0x3  }
0xd1: {  	v9 =	vld [tilespmem:s11+$0xFFFFFFD0]  }
0xd2: {  	v6 =	vadd.f32 v7, v6;
	v7 =	vmul.f32 v11, v8;
	v8 =	vbroadcast v5, $0x4  }
0xd3: {  	v11 =	vld [tilespmem:s11+$0xFFFFFFE0]  }
0xd4: {  	v6 =	vadd.f32 v7, v6;
	v7 =	vmul.f32 v10, v8;
	v8 =	vbroadcast v5, $0x5  }
0xd5: {  	v10 =	vld [tilespmem:s11+$0xFFFFFFF0]  }
0xd6: {  	v6 =	vadd.f32 v7, v6;
	v7 =	vmul.f32 v9, v8;
	v8 =	vbroadcast v5, $0x6  }
0xd7: {  	v9 =	vld [tilespmem:s11+$0x0]  }
0xd8: {  	v6 =	vadd.f32 v7, v6;
	v7 =	vmul.f32 v11, v8;
	v8 =	vbroadcast v5, $0x7  }
0xd9: {  	v11 =	vld [tilespmem:s11+$0x10]  }
0xda: {  	v6 =	vadd.f32 v7, v6;
	v7 =	vmul.f32 v10, v8;
	v8 =	vbroadcast v5, $0x8  }
0xdb: {  	v10 =	vld [tilespmem:s11+$0x20]  }
0xdc: {  	v6 =	vadd.f32 v7, v6;
	v7 =	vmul.f32 v9, v8;
	v8 =	vbroadcast v5, $0x9  }
0xdd: {  	v9 =	vld [tilespmem:s11+$0x30]  }
0xde: {  	v6 =	vadd.f32 v7, v6;
	v7 =	vmul.f32 v11, v8;
	v8 =	vbroadcast v5, $0xA  }
0xdf: {  	v11 =	vld [tilespmem:s11+$0x40]  }
0xe0: {  	v6 =	vadd.f32 v7, v6;
	v8 =	vmul.f32 v10, v8;
	v10 =	vbroadcast v5, $0xB  }
0xe1: {  	v7 =	vld [tilespmem:s11+$0x50]  }
0xe2: {  	v8 =	vadd.f32 v8, v6;
	v9 =	vmul.f32 v9, v10;
	v10 =	vbroadcast v5, $0xC  }
0xe3: {  	s12 =	simm.s32 $0x10;
	v6 =	vld [tilespmem:s11+$0x60]  }
0xe4: {  	s13 =	sand.u32 $0x3F0, s12;
	s12 =	simm.s32 $0x20;
	v9 =	vadd.f32 v9, v8;
	v10 =	vmul.f32 v11, v10;
	v11 =	vbroadcast v5, $0xD;
	v8 =	vld [tilespmem:s11+$0x70]  }
.LBB2_4:
0xe5: {  	p0 =	sne.s32 s12, $0x3F0;
	v12 =	vld [tilespmem:s13+$0x400]  }
0xe6: {  	s11 =	sadd.s32 $0x100, s11;
	v9 =	vadd.f32 v10, v9;
	v7 =	vmul.f32 v7, v11;
	v10 =	vbroadcast v5, $0xE  }
0xe7: {  	v11 =	vld [tilespmem:s11+$0xFFFFFF80]  }
0xe8: {  	v13 =	vbroadcast v5, $0xF;
	v7 =	vadd.f32 v7, v9;
	v6 =	vmul.f32 v6, v10  }
0xe9: {  	v9 =	vld [tilespmem:s11+$0xFFFFFF90]  }
0xea: {  	v10 =	vbroadcast v12, $0x0;
	v6 =	vadd.f32 v6, v7;
	v7 =	vmul.f32 v8, v13;
	v5 =	vmovc v12  }
0xeb: {  	v8 =	vld [tilespmem:s11+$0xFFFFFFA0]  }
0xec: {  	v10 =	vmul.f32 v11, v10;
	v11 =	vbroadcast v5, $0x1;
	v6 =	vadd.f32 v7, v6  }
0xed: {  	v7 =	vld [tilespmem:s11+$0xFFFFFFB0]  }
0xee: {  	v6 =	vadd.f32 v10, v6;
	v9 =	vmul.f32 v9, v11;
	v10 =	vbroadcast v5, $0x2  }
0xef: {  	v11 =	vld [tilespmem:s11+$0xFFFFFFC0]  }
0xf0: {  	v6 =	vadd.f32 v9, v6;
	v8 =	vmul.f32 v8, v10;
	v9 =	vbroadcast v5, $0x3  }
0xf1: {  	v10 =	vld [tilespmem:s11+$0xFFFFFFD0]  }
0xf2: {  	v6 =	vadd.f32 v8, v6;
	v7 =	vmul.f32 v7, v9;
	v8 =	vbroadcast v5, $0x4  }
0xf3: {  	v9 =	vld [tilespmem:s11+$0xFFFFFFE0]  }
0xf4: {  	v6 =	vadd.f32 v7, v6;
	v7 =	vmul.f32 v11, v8;
	v8 =	vbroadcast v5, $0x5  }
0xf5: {  	v11 =	vld [tilespmem:s11+$0xFFFFFFF0]  }
0xf6: {  	v6 =	vadd.f32 v7, v6;
	v7 =	vmul.f32 v10, v8;
	v8 =	vbroadcast v5, $0x6  }
0xf7: {  	v10 =	vld [tilespmem:s11+$0x0]  }
0xf8: {  	v6 =	vadd.f32 v7, v6;
	v7 =	vmul.f32 v9, v8;
	v8 =	vbroadcast v5, $0x7  }
0xf9: {  	v9 =	vld [tilespmem:s11+$0x10]  }
0xfa: {  	v6 =	vadd.f32 v7, v6;
	v7 =	vmul.f32 v11, v8;
	v8 =	vbroadcast v5, $0x8  }
0xfb: {  	v11 =	vld [tilespmem:s11+$0x20]  }
0xfc: {  	v6 =	vadd.f32 v7, v6;
	v7 =	vmul.f32 v10, v8;
	v8 =	vbroadcast v5, $0x9  }
0xfd: {  	v10 =	vld [tilespmem:s11+$0x30]  }
0xfe: {  	v6 =	vadd.f32 v7, v6;
	v7 =	vmul.f32 v9, v8;
	v8 =	vbroadcast v5, $0xA  }
0xff: {  	v12 =	vld [tilespmem:s11+$0x40]  }
.Ltmp1:
0x100: {  	v9 =	vbroadcast v5, $0xB;
	v6 =	vadd.f32 v7, v6;
	v8 =	vmul.f32 v11, v8;
	(pc) =	sbr.rel @p0 .LBB2_4-.Ltmp1, $4  }
0x101: {  	v7 =	vld [tilespmem:s11+$0x50]  }
0x102: {  	v8 =	vadd.f32 v8, v6;
	v9 =	vmul.f32 v10, v9;
	v10 =	vbroadcast v5, $0xC  }
0x103: {  	v6 =	vld [tilespmem:s11+$0x60]  }
0x104: {  	s13 =	sand.u32 $0x3F0, s12;
	s12 =	sadd.s32 $0x10, s12;
	v11 =	vbroadcast v5, $0xD;
	v9 =	vadd.f32 v9, v8;
	v10 =	vmul.f32 v12, v10;
	v8 =	vld [tilespmem:s11+$0x70]  }
0x105: {  	v12 =	vld [tilespmem:s13+$0x400]  }
0x106: {  	v39 =	vbroadcast v5, $0xE;
	s11 =	sadd.s32 $0x100, s11;
	v9 =	vadd.f32 v10, v9;
	v7 =	vmul.f32 v7, v11  }
0x107: {  	v40 =	vld [tilespmem:s11+$0xFFFFFF80]  }
0x108: {  	v5 =	vbroadcast v5, $0xF;
	v7 =	vadd.f32 v7, v9;
	v6 =	vmul.f32 v6, v39  }
0x109: {  	v41 =	vld [tilespmem:s11+$0xFFFFFF90]  }
0x10a: {  	v5 =	vmul.f32 v8, v5;
	v42 =	vbroadcast v12, $0x0;
	v6 =	vadd.f32 v6, v7  }
0x10b: {  	v7 =	vld [tilespmem:s11+$0xFFFFFFA0]  }
0x10c: {  	v44 =	vbroadcast v12, $0x1;
	v43 =	vmul.f32 v40, v42;
	v5 =	vadd.f32 v5, v6  }
0x10d: {  	v6 =	vld [tilespmem:s11+$0xFFFFFFB0]  }
0x10e: {  	v46 =	vbroadcast v12, $0x2;
	v45 =	vmul.f32 v41, v44;
	v5 =	vadd.f32 v43, v5  }
0x10f: {  	v47 =	vld [tilespmem:s11+$0xFFFFFFC0]  }
0x110: {  	v48 =	vbroadcast v12, $0x3;
	v7 =	vmul.f32 v7, v46;
	v5 =	vadd.f32 v45, v5  }
0x111: {  	v49 =	vld [tilespmem:s11+$0xFFFFFFD0]  }
0x112: {  	v6 =	vmul.f32 v6, v48;
	v5 =	vadd.f32 v7, v5;
	v7 =	vbroadcast v12, $0x4  }
0x113: {  	v50 =	vld [tilespmem:s11+$0xFFFFFFE0]  }
0x114: {  	v5 =	vadd.f32 v6, v5;
	v6 =	vmul.f32 v47, v7;
	v7 =	vbroadcast v12, $0x5  }
0x115: {  	v51 =	vld [tilespmem:s11+$0xFFFFFFF0]  }
0x116: {  	v5 =	vadd.f32 v6, v5;
	v6 =	vmul.f32 v49, v7;
	v7 =	vbroadcast v12, $0x6  }
0x117: {  	v52 =	vld [tilespmem:s11+$0x0]  }
0x118: {  	v5 =	vadd.f32 v6, v5;
	v6 =	vmul.f32 v50, v7;
	v7 =	vbroadcast v12, $0x7  }
0x119: {  	v53 =	vld [tilespmem:s11+$0x10]  }
0x11a: {  	v5 =	vadd.f32 v6, v5;
	v6 =	vmul.f32 v51, v7;
	v7 =	vbroadcast v12, $0x8  }
0x11b: {  	v54 =	vld [tilespmem:s11+$0x20]  }
0x11c: {  	v5 =	vadd.f32 v6, v5;
	v6 =	vmul.f32 v52, v7;
	v7 =	vbroadcast v12, $0x9  }
0x11d: {  	v55 =	vld [tilespmem:s11+$0x30]  }
0x11e: {  	v5 =	vadd.f32 v6, v5;
	v6 =	vmul.f32 v53, v7;
	v7 =	vbroadcast v12, $0xA  }
0x11f: {  	v56 =	vld [tilespmem:s11+$0x40]  }
0x120: {  	v5 =	vadd.f32 v6, v5;
	v6 =	vmul.f32 v54, v7;
	v7 =	vbroadcast v12, $0xB  }
0x121: {  	v57 =	vld [tilespmem:s11+$0x50]  }
0x122: {  	v5 =	vadd.f32 v6, v5;
	v6 =	vmul.f32 v55, v7;
	v7 =	vbroadcast v12, $0xC  }
0x123: {  	v58 =	vld [tilespmem:s11+$0x60]  }
0x124: {  	v5 =	vadd.f32 v6, v5;
	v6 =	vmul.f32 v56, v7;
	v7 =	vbroadcast v12, $0xD  }
0x125: {  	v59 =	vld [tilespmem:s11+$0x70]  }
0x126: {  	v5 =	vadd.f32 v6, v5;
	v6 =	vmul.f32 v57, v7;
	v7 =	vbroadcast v12, $0xE;
	_ =	sdelay $0x1  }
0x127: {  	v5 =	vadd.f32 v6, v5;
	v6 =	vmul.f32 v58, v7;
	v7 =	vbroadcast v12, $0xF;
	_ =	sdelay $0x1  }
0x128: {  	v5 =	vadd.f32 v6, v5;
	v6 =	vmul.f32 v59, v7;
	_ =	sdelay $0x1  }
0x129: {  	v5 =	vadd.f32 v6, v5;
	_ =	sdelay $0x1  }
0x12a: {  	v6 =	vperm.xlane v5, v0;
	_ =	sdelay $0x1  }
0x12b: {  	v6 =	vmax.f32 v5, v6  }
0x12c: {  	v7 =	vperm.xlane v6, v1;
	_ =	sdelay $0x1  }
0x12d: {  	v6 =	vmax.f32 v6, v7  }
0x12e: {  	v7 =	vperm.xlane v6, v2;
	_ =	sdelay $0x1  }
0x12f: {  	v6 =	vmax.f32 v6, v7  }
0x130: {  	v7 =	vperm.xlane v6, v3;
	_ =	sdelay $0x1  }
0x131: {  	v6 =	vmax.f32 v6, v7  }
0x132: {  	v5 =	vsub.f32 v5, v6;
	_ =	sdelay $0x1  }
0x133: {  	v5 =	vmul.f32 $1.442695020e+00, v5;
	_ =	sdelay $0x1  }
0x134: {  	(erf) = vpow2.f32 v5;
	_ =	sdelay $0x8  }
0x135: {  	v5 =	vpop (erf)  }
0x136: {  	v6 =	vperm.xlane v5, v0;
	_ =	sdelay $0x1  }
0x137: {  	v6 =	vadd.f32 v5, v6;
	_ =	sdelay $0x1  }
0x138: {  	v7 =	vperm.xlane v6, v1;
	_ =	sdelay $0x1  }
0x139: {  	v6 =	vadd.f32 v6, v7;
	_ =	sdelay $0x1  }
0x13a: {  	v7 =	vperm.xlane v6, v2;
	_ =	sdelay $0x1  }
0x13b: {  	v6 =	vadd.f32 v6, v7;
	_ =	sdelay $0x1  }
0x13c: {  	v7 =	vperm.xlane v6, v3;
	_ =	sdelay $0x1  }
0x13d: {  	v6 =	vadd.f32 v6, v7;
	_ =	sdelay $0x1  }
0x13e: {  	(erf) = vrcp.f32 v6;
	_ =	sdelay $0x8  }
0x13f: {  	v6 =	vpop (erf)  }
0x140: {  	v5 =	vmul.f32 v6, v5;
	_ =	sdelay $0x1  }
0x141: {  	v6 =	vperm.xlane v5, v0;
	_ =	sdelay $0x1  }
0x142: {  	v6 =	vmax.f32 v5, v6  }
0x143: {  	v7 =	vperm.xlane v6, v1;
	_ =	sdelay $0x1  }
0x144: {  	v6 =	vmax.f32 v6, v7  }
0x145: {  	v7 =	vperm.xlane v6, v2;
	_ =	sdelay $0x1  }
0x146: {  	v6 =	vmax.f32 v6, v7  }
0x147: {  	v7 =	vperm.xlane v6, v3;
	_ =	sdelay $0x1  }
0x148: {  	v6 =	vmax.f32 v6, v7  }
0x149: {  	vm0 =	veq.f32 v5, v6  }
0x14a: {  	v7 =	vnsel vm0, $0x10, v4  }
0x14b: {  	v60 =	vperm.xlane v7, v0;
	_ =	sdelay $0x1  }
0x14c: {  	vm0 =	vlt.s32 v7, v60  }
0x14d: {  	v7 =	vsel vm0, v7, v60  }
0x14e: {  	v8 =	vperm.xlane v7, v1;
	_ =	sdelay $0x1  }
0x14f: {  	vm0 =	vlt.s32 v7, v8  }
0x150: {  	v7 =	vsel vm0, v7, v8  }
0x151: {  	v8 =	vperm.xlane v7, v2;
	_ =	sdelay $0x1  }
0x152: {  	vm0 =	vlt.s32 v7, v8  }
0x153: {  	v7 =	vsel vm0, v7, v8  }
0x154: {  	v8 =	vperm.xlane v7, v3;
	_ =	sdelay $0x1  }
0x155: {  	vm0 =	vlt.s32 v7, v8  }
0x156: {  	v7 =	vsel vm0, v7, v8  }
0x157: {  	vm0 =	veq.s32 v7, v4  }
0x158: {  	v5 =	vsel vm0, $0xBF800000, v5  }
0x159: {  	v7 =	vperm.xlane v5, v0;
	_ =	sdelay $0x1  }
0x15a: {  	v7 =	vmax.f32 v5, v7  }
0x15b: {  	v61 =	vperm.xlane v7, v1;
	_ =	sdelay $0x1  }
0x15c: {  	v7 =	vmax.f32 v7, v61  }
0x15d: {  	v8 =	vperm.xlane v7, v2;
	_ =	sdelay $0x1  }
0x15e: {  	v7 =	vmax.f32 v7, v8  }
0x15f: {  	v8 =	vperm.xlane v7, v3;
	_ =	sdelay $0x1  }
0x160: {  	v7 =	vmax.f32 v7, v8  }
0x161: {  	vm1 =	veq.f32 v5, v7  }
0x162: {  	v5 =	vnsel vm1, $0x10, v4  }
0x163: {  	v62 =	vperm.xlane v5, v0;
	_ =	sdelay $0x1  }
0x164: {  	vm1 =	vlt.s32 v5, v62  }
0x165: {  	v5 =	vsel vm1, v5, v62  }
0x166: {  	v8 =	vperm.xlane v5, v1;
	_ =	sdelay $0x1  }
0x167: {  	vm1 =	vlt.s32 v5, v8  }
0x168: {  	v5 =	vsel vm1, v5, v8  }
0x169: {  	v8 =	vperm.xlane v5, v2  }
0x16a: {  	v63 =	vadd.f32 v7, v6  }
0x16b: {  	vm1 =	vlt.s32 v5, v8  }
0x16c: {  	(erf) = vrcp.f32 v63;
	v5 =	vsel vm1, v5, v8  }
0x16d: {  	v8 =	vperm.xlane v5, v3;
	_ =	sdelay $0x1  }
0x16e: {  	vm1 =	vlt.s32 v5, v8  }
0x16f: {  	v5 =	vsel vm1, v5, v8  }
0x170: {  	vm1 =	veq.s32 v5, v4  }
0x171: {  	v5 =	vnsel vm0, $0x0, v6;
	v6 =	vnsel vm1, $0x0, v7;
	_ =	sdelay $0x1  }
0x172: {  	v5 =	vadd.f32 v6, v5  }
0x173: {  	v6 =	vpop (erf)  }
0x174: {  	s10 =	sadd.s32 $0x1, s10;
	v5 =	vmul.f32 v5, v6  }
0x175: {  	p0 =	sne.s32 s10, s6  }
.Ltmp2:
0x176: {  	[tilespmem:$0x4810] =	vst v5;
	(pc) =	sbr.rel @p0 .LBB2_1-.Ltmp2, $4  }
0x177: {  	[hbm4b:s5+s0] =	stream.linear.scatter [tilespmem:s9], [sflag:$0x1], $0x20, $0x38;
	[tilespmem:$0x4880] =	vst v63  }
0x178: {  	_ =	swait.ge [sflag:s7], $0x20  }
0x179: {  	[sflag:s7] =	ssyncset.done $0x0  }
0x17a: {  	[sflag:s7] =	ssyncadd.s32 $0xFFFFFFE0  }
0x17b: {  	_ =	sfence.sel $0x180000  }
0x17c: {  	[bflag:$0x0] =	sbarrier.arrive $0xFFFF  }
0x17d: {  	p0 =	sne.s32 s2, $0x0;
	_ =	strace $0x90000047  }
0x17e: {  	s0 =	sadd.s32 @!p0 $0x100000, s1;
	[bflag:$0x2] =	sbarrier.arrive $0xFFFF  }
0x17f: {  	[sflag:s0] =	ssyncadd.tile.s32 @!p0 $0x1;
	_ =	shalt  }
.Lfunc_end2:
_tile_overlayer_lowered:
.L_overlay_start_2:
0x180: {  	(tag) =	ssettag $0x2  }
0x181: {  	s0 =	rddreg [dreg:$0x0];
	s2 =	stileid.u32  }
0x182: {  	s1 =	rddreg [dreg:$0x1];
	p0 =	sne.s32 s2, $0x0  }
0x183: {  	s3 =	rddreg [dreg:$0x2];
	[bflag:$0x3] =	sbarrier.arrive $0xFFFF;
	s2 =	simm.s32 @!p0 $0x1C01  }
0x184: {  	[timem:s3], [sflag:s2] =	dma.local @!p0 [hbm:s0], s1  }
0x185: {  	s0 =	simm.s32 @!p0 $0x1  }
0x186: {  	_ =	swait.ge @!p0 [sflag:s0], s1  }
0x187: {  	s1 =	ssub.s32 @!p0 $0x0, s1;
	[sflag:s0] =	ssyncset.done @!p0 $0x0  }
0x188: {  	[sflag:s0] =	ssyncadd.s32 @!p0 s1  }
0x189: {  	[bflag:$0x3] =	sbarrier.arrive $0xFFFF  }
0x18a: {  	_ =	shalt  }

</sc_bundles>
